<compile_context>
chip_gen: v7x
topology: tpu7x:2x2x1
jax: 0.10.2.dev20260603
libtpu: 0.0.44.dev20260713+nightly
codegen_flags: <defaults>
</compile_context>

<pallas_src>
import functools
import math

import jax
import jax.numpy as jnp
from jax import lax
from jax.experimental import pallas as pl
from jax.experimental.pallas import tpu as pltpu
from jax.experimental.pallas import tpu_sc as plsc

D_MODEL = 64
SCALE = math.sqrt(D_MODEL)

NC = 2
NS = 16
NW = NC * NS
LANES = 16

CHUNK_X = 4
NBUF = 2


@functools.partial(jax.jit, static_argnames=("seq",))
def _emb_lookup(idx, table, seq):
    n_x = idx.shape[0]
    x_per_w = n_x // NW
    n_chunks = x_per_w // CHUNK_X
    chunk_rows = CHUNK_X * seq
    rows_per_w = x_per_w * seq
    n_rows = n_x * seq
    splits = []
    off = 0
    while off < seq:
        w = min(128, seq - off)
        splits.append((off, w))
        off += w

    mesh = plsc.VectorSubcoreMesh(
        core_axis_name="c", subcore_axis_name="s",
        num_cores=NC, num_subcores=NS)

    @functools.partial(
        pl.kernel,
        mesh=mesh,
        compiler_params=pltpu.CompilerParams(use_tc_tiling_on_sc=False),
        out_type=jax.ShapeDtypeStruct((n_rows, D_MODEL), jnp.float32),
        scratch_types=[
            pltpu.VMEM((NBUF, CHUNK_X, seq), jnp.int32),
            pltpu.VMEM((NBUF, chunk_rows, D_MODEL), jnp.float32),
            pltpu.SemaphoreType.DMA,
            pltpu.SemaphoreType.DMA,
            pltpu.SemaphoreType.DMA,
            pltpu.SemaphoreType.DMA,
        ],
    )
    def body(idx_hbm, table_hbm, out_hbm, idx_v, rows_v,
             gsem0, gsem1, ssem0, ssem1):
        gsems = (gsem0, gsem1)
        ssems = (ssem0, ssem1)
        wid = lax.axis_index("s") * NC + lax.axis_index("c")
        xrow0 = wid * x_per_w
        base = wid * rows_per_w

        def start_gather(c, b):
            pltpu.sync_copy(
                idx_hbm.at[pl.ds(xrow0 + c * CHUNK_X, CHUNK_X)],
                idx_v.at[b])
            for r in range(CHUNK_X):
                for (o, w) in splits:
                    pltpu.async_copy(
                        table_hbm.at[idx_v.at[b, r, pl.ds(o, w)]],
                        rows_v.at[b, pl.ds(r * seq + o, w)],
                        gsems[b])

        def wait_gather(b):
            pltpu.make_async_copy(
                table_hbm.at[pl.ds(0, chunk_rows)], rows_v.at[b],
                gsems[b]).wait()

        def scale_chunk(b):
            def row_body(r, carry):
                for jj in range(D_MODEL // LANES):
                    sl = pl.ds(jj * LANES, LANES)
                    rows_v[b, r, sl] = rows_v[b, r, sl] * SCALE
                return carry
            lax.fori_loop(0, chunk_rows, row_body, 0, unroll=4)

        def start_store(c, b):
            pltpu.async_copy(
                rows_v.at[b],
                out_hbm.at[pl.ds(base + c * chunk_rows, chunk_rows)],
                ssems[b])

        def wait_store(b):
            pltpu.make_async_copy(
                rows_v.at[b], out_hbm.at[pl.ds(0, chunk_rows)],
                ssems[b]).wait()

        start_gather(0, 0)

        def group_body(i, carry):
            g = i * NBUF
            for b in range(NBUF):
                c = g + b
                nb = (b + 1) % NBUF
                nxt = c + 1

                @pl.when(nxt < n_chunks)
                def _prefetch():
                    @pl.when(nxt >= NBUF)
                    def _reclaim():
                        wait_store(nb)
                    start_gather(nxt, nb)

                wait_gather(b)
                scale_chunk(b)
                start_store(c, b)
            return carry

        lax.fori_loop(0, n_chunks // NBUF, group_body, 0)
        for b in range(NBUF):
            wait_store(b)

    return body(idx, table)


def kernel(X, table):
    idx = X.astype(jnp.int32)
    out = _emb_lookup(idx, table, X.shape[1])
    return out.reshape(X.shape[0], X.shape[1], D_MODEL)

# --- scband reference (transcript-rebuilt; emitter-appended) ---
"""Pipeline reference for scband-embedding-19000935318045 (READ-ONLY COPY).

The authoritative reference and input builder live on the scoring server;
editing this copy changes nothing except your own understanding.
"""

import math
import jax, jax.numpy as jnp
import numpy as np

D_MODEL = 64
VOCAB = 1000000

def setup_inputs(seed: int = 0) -> dict:
    key = jax.random.key(seed)
    k1, k2 = jax.random.split(key)
    X = jax.random.randint(k1, (4096, 200), 0, VOCAB, dtype=jnp.int64) if jax.config.jax_enable_x64 else jax.random.randint(k1, (4096, 200), 0, VOCAB, dtype=jnp.int32)
    table = jax.random.normal(k2, (VOCAB, D_MODEL), dtype=jnp.float32)
    return {"X": X, "table": table}

def reference(X, table):
    # nn.Embedding lookup followed by scaling by sqrt(d_model)
    emb = jnp.take(table, X, axis=0)
    return emb * math.sqrt(D_MODEL)

if __name__ == "__main__":
    import jax
    _d = setup_inputs()
    print(jax.jit(kernel)(*tuple(_d.values())))

</pallas_src>

<mosaic_0001>
#map = affine_map<(d0, d1) -> (0, 0)>
module attributes {stable_mosaic.version = 14 : i64} {
  func.func @body(%arg0: i32, %arg1: i32, %arg2: memref<4096x200xi32, #tpu.memory_space<hbm>>, %arg3: memref<1000000x64xf32, #tpu.memory_space<hbm>>, %arg4: memref<819200x64xf32, #tpu.memory_space<hbm>>, %arg5: memref<2x4x200xi32, #tpu.memory_space<vmem>>, %arg6: memref<2x800x64xf32, #tpu.memory_space<vmem>>, %arg7: memref<!tpu.dma_semaphore, #tpu.memory_space<semaphore_mem>>, %arg8: memref<!tpu.dma_semaphore, #tpu.memory_space<semaphore_mem>>, %arg9: memref<!tpu.dma_semaphore, #tpu.memory_space<semaphore_mem>>, %arg10: memref<!tpu.dma_semaphore, #tpu.memory_space<semaphore_mem>>) attributes {dimension_semantics = [#tpu.dimension_semantics<core_parallel>, #tpu.dimension_semantics<subcore_parallel>], iteration_bounds = array<i64: 2, 16>, scalar_prefetch = 0 : i64, scratch_operands = 6 : i64, tpu.core_type = #tpu.core_type<sc_vector_subcore>, window_params = [{transform_indices = #map}, {transform_indices = #map}, {transform_indices = #map}]} {
    %mul3A = arith.constant 2 : i32
    %mul3A_0 = arith.muli %arg1, %mul3A : i32
    %add3A = arith.addi %mul3A_0, %arg0 : i32
    %mul3A_1 = arith.constant 128 : i32
    %mul3A_2 = arith.muli %add3A, %mul3A_1 : i32
    %mul3A_3 = arith.constant 25600 : i32
    %mul3A_4 = arith.muli %add3A, %mul3A_3 : i32
    %add3A_5 = arith.constant 0 : i32
    %add3A_6 = arith.addi %mul3A_2, %add3A_5 : i32
    %run_scoped3A = arith.constant 0 : i32
    "tpu.region"() ({
      %run_scoped3A_144 = tpu.sem_alloc : memref<!tpu.dma_semaphore, #tpu.memory_space<semaphore_mem>>
      %dma_start3A_145 = arith.constant 0 : i32
      %dma_start3A_146 = arith.constant 0 : i32
      %dma_start3A_147 = tpu.memref_slice %arg5[%run_scoped3A, %dma_start3A_145, %dma_start3A_146] : memref<2x4x200xi32, #tpu.memory_space<vmem>> -> memref<1x4x200xi32, #tpu.memory_space<vmem>>
      %dma_start3A_148 = tpu.memref_squeeze %dma_start3A_147 : memref<1x4x200xi32, #tpu.memory_space<vmem>> -> memref<4x200xi32, #tpu.memory_space<vmem>>
      %dma_start3A_149 = arith.constant 0 : i32
      %dma_start3A_150 = tpu.memref_slice %arg2[%add3A_6, %dma_start3A_149] : memref<4096x200xi32, #tpu.memory_space<hbm>> -> memref<4x200xi32, #tpu.memory_space<hbm>>
      %dma_start3A_151 = arith.constant 0 : i32
      %dma_start3A_152 = arith.constant 0 : i32
      %dma_start3A_153 = tpu.memref_slice %arg5[%run_scoped3A, %dma_start3A_151, %dma_start3A_152] : memref<2x4x200xi32, #tpu.memory_space<vmem>> -> memref<1x4x200xi32, #tpu.memory_space<vmem>>
      %dma_start3A_154 = tpu.memref_squeeze %dma_start3A_153 : memref<1x4x200xi32, #tpu.memory_space<vmem>> -> memref<4x200xi32, #tpu.memory_space<vmem>>
      %dma_start3A_155 = arith.constant 0 : i32
      %dma_start3A_156 = tpu.memref_slice %arg2[%add3A_6, %dma_start3A_155] : memref<4096x200xi32, #tpu.memory_space<hbm>> -> memref<4x200xi32, #tpu.memory_space<hbm>>
      tpu.enqueue_dma source(%dma_start3A_156 : memref<4x200xi32, #tpu.memory_space<hbm>>) target(%dma_start3A_154 : memref<4x200xi32, #tpu.memory_space<vmem>>) target_semaphore(%run_scoped3A_144 : memref<!tpu.dma_semaphore, #tpu.memory_space<semaphore_mem>>)
      %dma_wait3A_157 = arith.constant 0 : i32
      %dma_wait3A_158 = arith.constant 0 : i32
      %dma_wait3A_159 = tpu.memref_slice %arg5[%run_scoped3A, %dma_wait3A_157, %dma_wait3A_158] : memref<2x4x200xi32, #tpu.memory_space<vmem>> -> memref<1x4x200xi32, #tpu.memory_space<vmem>>
      %dma_wait3A_160 = tpu.memref_squeeze %dma_wait3A_159 : memref<1x4x200xi32, #tpu.memory_space<vmem>> -> memref<4x200xi32, #tpu.memory_space<vmem>>
      %dma_wait3A_161 = arith.constant 0 : i32
      %dma_wait3A_162 = tpu.memref_slice %arg2[%add3A_6, %dma_wait3A_161] : memref<4096x200xi32, #tpu.memory_space<hbm>> -> memref<4x200xi32, #tpu.memory_space<hbm>>
      %dma_wait3A_163 = arith.constant 0 : i32
      %dma_wait3A_164 = arith.constant 0 : i32
      %dma_wait3A_165 = tpu.memref_slice %arg5[%run_scoped3A, %dma_wait3A_163, %dma_wait3A_164] : memref<2x4x200xi32, #tpu.memory_space<vmem>> -> memref<1x4x200xi32, #tpu.memory_space<vmem>>
      %dma_wait3A_166 = tpu.memref_squeeze %dma_wait3A_165 : memref<1x4x200xi32, #tpu.memory_space<vmem>> -> memref<4x200xi32, #tpu.memory_space<vmem>>
      %dma_wait3A_167 = arith.constant 0 : i32
      %dma_wait3A_168 = tpu.memref_slice %arg2[%add3A_6, %dma_wait3A_167] : memref<4096x200xi32, #tpu.memory_space<hbm>> -> memref<4x200xi32, #tpu.memory_space<hbm>>
      tpu.wait_dma2 semaphore(%run_scoped3A_144 : memref<!tpu.dma_semaphore, #tpu.memory_space<semaphore_mem>>) src(%dma_wait3A_168 : memref<4x200xi32, #tpu.memory_space<hbm>>) dst(%dma_wait3A_166 : memref<4x200xi32, #tpu.memory_space<vmem>>)
      tpu.yield
    }) : () -> ()
    %dma_start3A = arith.constant 0 : i32
    %dma_start3A_7 = arith.constant 0 : i32
    %dma_start3A_8 = arith.constant 0 : i32
    %dma_start3A_9 = arith.constant 0 : i32
    %dma_start3A_10 = arith.constant 0 : i32
    %dma_start3A_11 = tpu.memref_slice %arg6[%dma_start3A_8, %dma_start3A_9, %dma_start3A_10] : memref<2x800x64xf32, #tpu.memory_space<vmem>> -> memref<1x128x64xf32, #tpu.memory_space<vmem>>
    %dma_start3A_12 = tpu.memref_squeeze %dma_start3A_11 : memref<1x128x64xf32, #tpu.memory_space<vmem>> -> memref<128x64xf32, #tpu.memory_space<vmem>>
    %dma_start3A_13 = arith.constant 0 : i32
    %dma_start3A_14 = tpu.memref_slice %arg5[%dma_start3A, %dma_start3A_7, %dma_start3A_13] : memref<2x4x200xi32, #tpu.memory_space<vmem>> -> memref<1x1x128xi32, #tpu.memory_space<vmem>>
    %dma_start3A_15 = tpu.memref_squeeze %dma_start3A_14 : memref<1x1x128xi32, #tpu.memory_space<vmem>> -> memref<128xi32, #tpu.memory_space<vmem>>
    %dma_start3A_16 = arith.constant 0 : i32
    %dma_start3A_17 = arith.constant 0 : i32
    %dma_start3A_18 = tpu.memref_slice %arg3[%dma_start3A_16, %dma_start3A_17] : memref<1000000x64xf32, #tpu.memory_space<hbm>> -> memref<1000000x64xf32, #tpu.memory_space<hbm>>
    tpu.enqueue_indirect_dma source(%dma_start3A_18 : memref<1000000x64xf32, #tpu.memory_space<hbm>>) target(%dma_start3A_12 : memref<128x64xf32, #tpu.memory_space<vmem>>) offsets(%dma_start3A_15 : memref<128xi32, #tpu.memory_space<vmem>>) semaphore(%arg7 : memref<!tpu.dma_semaphore, #tpu.memory_space<semaphore_mem>>)
    %dma_start3A_19 = arith.constant 0 : i32
    %dma_start3A_20 = arith.constant 0 : i32
    %dma_start3A_21 = arith.constant 0 : i32
    %dma_start3A_22 = arith.constant 128 : i32
    %dma_start3A_23 = arith.constant 0 : i32
    %dma_start3A_24 = tpu.memref_slice %arg6[%dma_start3A_21, %dma_start3A_22, %dma_start3A_23] : memref<2x800x64xf32, #tpu.memory_space<vmem>> -> memref<1x72x64xf32, #tpu.memory_space<vmem>>
    %dma_start3A_25 = tpu.memref_squeeze %dma_start3A_24 : memref<1x72x64xf32, #tpu.memory_space<vmem>> -> memref<72x64xf32, #tpu.memory_space<vmem>>
    %dma_start3A_26 = arith.constant 128 : i32
    %dma_start3A_27 = tpu.memref_slice %arg5[%dma_start3A_19, %dma_start3A_20, %dma_start3A_26] : memref<2x4x200xi32, #tpu.memory_space<vmem>> -> memref<1x1x72xi32, #tpu.memory_space<vmem>>
    %dma_start3A_28 = tpu.memref_squeeze %dma_start3A_27 : memref<1x1x72xi32, #tpu.memory_space<vmem>> -> memref<72xi32, #tpu.memory_space<vmem>>
    %dma_start3A_29 = arith.constant 0 : i32
    %dma_start3A_30 = arith.constant 0 : i32
    %dma_start3A_31 = tpu.memref_slice %arg3[%dma_start3A_29, %dma_start3A_30] : memref<1000000x64xf32, #tpu.memory_space<hbm>> -> memref<1000000x64xf32, #tpu.memory_space<hbm>>
    tpu.enqueue_indirect_dma source(%dma_start3A_31 : memref<1000000x64xf32, #tpu.memory_space<hbm>>) target(%dma_start3A_25 : memref<72x64xf32, #tpu.memory_space<vmem>>) offsets(%dma_start3A_28 : memref<72xi32, #tpu.memory_space<vmem>>) semaphore(%arg7 : memref<!tpu.dma_semaphore, #tpu.memory_space<semaphore_mem>>)
    %dma_start3A_32 = arith.constant 0 : i32
    %dma_start3A_33 = arith.constant 1 : i32
    %dma_start3A_34 = arith.constant 0 : i32
    %dma_start3A_35 = arith.constant 200 : i32
    %dma_start3A_36 = arith.constant 0 : i32
    %dma_start3A_37 = tpu.memref_slice %arg6[%dma_start3A_34, %dma_start3A_35, %dma_start3A_36] : memref<2x800x64xf32, #tpu.memory_space<vmem>> -> memref<1x128x64xf32, #tpu.memory_space<vmem>>
    %dma_start3A_38 = tpu.memref_squeeze %dma_start3A_37 : memref<1x128x64xf32, #tpu.memory_space<vmem>> -> memref<128x64xf32, #tpu.memory_space<vmem>>
    %dma_start3A_39 = arith.constant 0 : i32
    %dma_start3A_40 = tpu.memref_slice %arg5[%dma_start3A_32, %dma_start3A_33, %dma_start3A_39] : memref<2x4x200xi32, #tpu.memory_space<vmem>> -> memref<1x1x128xi32, #tpu.memory_space<vmem>>
    %dma_start3A_41 = tpu.memref_squeeze %dma_start3A_40 : memref<1x1x128xi32, #tpu.memory_space<vmem>> -> memref<128xi32, #tpu.memory_space<vmem>>
    %dma_start3A_42 = arith.constant 0 : i32
    %dma_start3A_43 = arith.constant 0 : i32
    %dma_start3A_44 = tpu.memref_slice %arg3[%dma_start3A_42, %dma_start3A_43] : memref<1000000x64xf32, #tpu.memory_space<hbm>> -> memref<1000000x64xf32, #tpu.memory_space<hbm>>
    tpu.enqueue_indirect_dma source(%dma_start3A_44 : memref<1000000x64xf32, #tpu.memory_space<hbm>>) target(%dma_start3A_38 : memref<128x64xf32, #tpu.memory_space<vmem>>) offsets(%dma_start3A_41 : memref<128xi32, #tpu.memory_space<vmem>>) semaphore(%arg7 : memref<!tpu.dma_semaphore, #tpu.memory_space<semaphore_mem>>)
    %dma_start3A_45 = arith.constant 0 : i32
    %dma_start3A_46 = arith.constant 1 : i32
    %dma_start3A_47 = arith.constant 0 : i32
    %dma_start3A_48 = arith.constant 328 : i32
    %dma_start3A_49 = arith.constant 0 : i32
    %dma_start3A_50 = tpu.memref_slice %arg6[%dma_start3A_47, %dma_start3A_48, %dma_start3A_49] : memref<2x800x64xf32, #tpu.memory_space<vmem>> -> memref<1x72x64xf32, #tpu.memory_space<vmem>>
    %dma_start3A_51 = tpu.memref_squeeze %dma_start3A_50 : memref<1x72x64xf32, #tpu.memory_space<vmem>> -> memref<72x64xf32, #tpu.memory_space<vmem>>
    %dma_start3A_52 = arith.constant 128 : i32
    %dma_start3A_53 = tpu.memref_slice %arg5[%dma_start3A_45, %dma_start3A_46, %dma_start3A_52] : memref<2x4x200xi32, #tpu.memory_space<vmem>> -> memref<1x1x72xi32, #tpu.memory_space<vmem>>
    %dma_start3A_54 = tpu.memref_squeeze %dma_start3A_53 : memref<1x1x72xi32, #tpu.memory_space<vmem>> -> memref<72xi32, #tpu.memory_space<vmem>>
    %dma_start3A_55 = arith.constant 0 : i32
    %dma_start3A_56 = arith.constant 0 : i32
    %dma_start3A_57 = tpu.memref_slice %arg3[%dma_start3A_55, %dma_start3A_56] : memref<1000000x64xf32, #tpu.memory_space<hbm>> -> memref<1000000x64xf32, #tpu.memory_space<hbm>>
    tpu.enqueue_indirect_dma source(%dma_start3A_57 : memref<1000000x64xf32, #tpu.memory_space<hbm>>) target(%dma_start3A_51 : memref<72x64xf32, #tpu.memory_space<vmem>>) offsets(%dma_start3A_54 : memref<72xi32, #tpu.memory_space<vmem>>) semaphore(%arg7 : memref<!tpu.dma_semaphore, #tpu.memory_space<semaphore_mem>>)
    %dma_start3A_58 = arith.constant 0 : i32
    %dma_start3A_59 = arith.constant 2 : i32
    %dma_start3A_60 = arith.constant 0 : i32
    %dma_start3A_61 = arith.constant 400 : i32
    %dma_start3A_62 = arith.constant 0 : i32
    %dma_start3A_63 = tpu.memref_slice %arg6[%dma_start3A_60, %dma_start3A_61, %dma_start3A_62] : memref<2x800x64xf32, #tpu.memory_space<vmem>> -> memref<1x128x64xf32, #tpu.memory_space<vmem>>
    %dma_start3A_64 = tpu.memref_squeeze %dma_start3A_63 : memref<1x128x64xf32, #tpu.memory_space<vmem>> -> memref<128x64xf32, #tpu.memory_space<vmem>>
    %dma_start3A_65 = arith.constant 0 : i32
    %dma_start3A_66 = tpu.memref_slice %arg5[%dma_start3A_58, %dma_start3A_59, %dma_start3A_65] : memref<2x4x200xi32, #tpu.memory_space<vmem>> -> memref<1x1x128xi32, #tpu.memory_space<vmem>>
    %dma_start3A_67 = tpu.memref_squeeze %dma_start3A_66 : memref<1x1x128xi32, #tpu.memory_space<vmem>> -> memref<128xi32, #tpu.memory_space<vmem>>
    %dma_start3A_68 = arith.constant 0 : i32
    %dma_start3A_69 = arith.constant 0 : i32
    %dma_start3A_70 = tpu.memref_slice %arg3[%dma_start3A_68, %dma_start3A_69] : memref<1000000x64xf32, #tpu.memory_space<hbm>> -> memref<1000000x64xf32, #tpu.memory_space<hbm>>
    tpu.enqueue_indirect_dma source(%dma_start3A_70 : memref<1000000x64xf32, #tpu.memory_space<hbm>>) target(%dma_start3A_64 : memref<128x64xf32, #tpu.memory_space<vmem>>) offsets(%dma_start3A_67 : memref<128xi32, #tpu.memory_space<vmem>>) semaphore(%arg7 : memref<!tpu.dma_semaphore, #tpu.memory_space<semaphore_mem>>)
    %dma_start3A_71 = arith.constant 0 : i32
    %dma_start3A_72 = arith.constant 2 : i32
    %dma_start3A_73 = arith.constant 0 : i32
    %dma_start3A_74 = arith.constant 528 : i32
    %dma_start3A_75 = arith.constant 0 : i32
    %dma_start3A_76 = tpu.memref_slice %arg6[%dma_start3A_73, %dma_start3A_74, %dma_start3A_75] : memref<2x800x64xf32, #tpu.memory_space<vmem>> -> memref<1x72x64xf32, #tpu.memory_space<vmem>>
    %dma_start3A_77 = tpu.memref_squeeze %dma_start3A_76 : memref<1x72x64xf32, #tpu.memory_space<vmem>> -> memref<72x64xf32, #tpu.memory_space<vmem>>
    %dma_start3A_78 = arith.constant 128 : i32
    %dma_start3A_79 = tpu.memref_slice %arg5[%dma_start3A_71, %dma_start3A_72, %dma_start3A_78] : memref<2x4x200xi32, #tpu.memory_space<vmem>> -> memref<1x1x72xi32, #tpu.memory_space<vmem>>
    %dma_start3A_80 = tpu.memref_squeeze %dma_start3A_79 : memref<1x1x72xi32, #tpu.memory_space<vmem>> -> memref<72xi32, #tpu.memory_space<vmem>>
    %dma_start3A_81 = arith.constant 0 : i32
    %dma_start3A_82 = arith.constant 0 : i32
    %dma_start3A_83 = tpu.memref_slice %arg3[%dma_start3A_81, %dma_start3A_82] : memref<1000000x64xf32, #tpu.memory_space<hbm>> -> memref<1000000x64xf32, #tpu.memory_space<hbm>>
    tpu.enqueue_indirect_dma source(%dma_start3A_83 : memref<1000000x64xf32, #tpu.memory_space<hbm>>) target(%dma_start3A_77 : memref<72x64xf32, #tpu.memory_space<vmem>>) offsets(%dma_start3A_80 : memref<72xi32, #tpu.memory_space<vmem>>) semaphore(%arg7 : memref<!tpu.dma_semaphore, #tpu.memory_space<semaphore_mem>>)
    %dma_start3A_84 = arith.constant 0 : i32
    %dma_start3A_85 = arith.constant 3 : i32
    %dma_start3A_86 = arith.constant 0 : i32
    %dma_start3A_87 = arith.constant 600 : i32
    %dma_start3A_88 = arith.constant 0 : i32
    %dma_start3A_89 = tpu.memref_slice %arg6[%dma_start3A_86, %dma_start3A_87, %dma_start3A_88] : memref<2x800x64xf32, #tpu.memory_space<vmem>> -> memref<1x128x64xf32, #tpu.memory_space<vmem>>
    %dma_start3A_90 = tpu.memref_squeeze %dma_start3A_89 : memref<1x128x64xf32, #tpu.memory_space<vmem>> -> memref<128x64xf32, #tpu.memory_space<vmem>>
    %dma_start3A_91 = arith.constant 0 : i32
    %dma_start3A_92 = tpu.memref_slice %arg5[%dma_start3A_84, %dma_start3A_85, %dma_start3A_91] : memref<2x4x200xi32, #tpu.memory_space<vmem>> -> memref<1x1x128xi32, #tpu.memory_space<vmem>>
    %dma_start3A_93 = tpu.memref_squeeze %dma_start3A_92 : memref<1x1x128xi32, #tpu.memory_space<vmem>> -> memref<128xi32, #tpu.memory_space<vmem>>
    %dma_start3A_94 = arith.constant 0 : i32
    %dma_start3A_95 = arith.constant 0 : i32
    %dma_start3A_96 = tpu.memref_slice %arg3[%dma_start3A_94, %dma_start3A_95] : memref<1000000x64xf32, #tpu.memory_space<hbm>> -> memref<1000000x64xf32, #tpu.memory_space<hbm>>
    tpu.enqueue_indirect_dma source(%dma_start3A_96 : memref<1000000x64xf32, #tpu.memory_space<hbm>>) target(%dma_start3A_90 : memref<128x64xf32, #tpu.memory_space<vmem>>) offsets(%dma_start3A_93 : memref<128xi32, #tpu.memory_space<vmem>>) semaphore(%arg7 : memref<!tpu.dma_semaphore, #tpu.memory_space<semaphore_mem>>)
    %dma_start3A_97 = arith.constant 0 : i32
    %dma_start3A_98 = arith.constant 3 : i32
    %dma_start3A_99 = arith.constant 0 : i32
    %dma_start3A_100 = arith.constant 728 : i32
    %dma_start3A_101 = arith.constant 0 : i32
    %dma_start3A_102 = tpu.memref_slice %arg6[%dma_start3A_99, %dma_start3A_100, %dma_start3A_101] : memref<2x800x64xf32, #tpu.memory_space<vmem>> -> memref<1x72x64xf32, #tpu.memory_space<vmem>>
    %dma_start3A_103 = tpu.memref_squeeze %dma_start3A_102 : memref<1x72x64xf32, #tpu.memory_space<vmem>> -> memref<72x64xf32, #tpu.memory_space<vmem>>
    %dma_start3A_104 = arith.constant 128 : i32
    %dma_start3A_105 = tpu.memref_slice %arg5[%dma_start3A_97, %dma_start3A_98, %dma_start3A_104] : memref<2x4x200xi32, #tpu.memory_space<vmem>> -> memref<1x1x72xi32, #tpu.memory_space<vmem>>
    %dma_start3A_106 = tpu.memref_squeeze %dma_start3A_105 : memref<1x1x72xi32, #tpu.memory_space<vmem>> -> memref<72xi32, #tpu.memory_space<vmem>>
    %dma_start3A_107 = arith.constant 0 : i32
    %dma_start3A_108 = arith.constant 0 : i32
    %dma_start3A_109 = tpu.memref_slice %arg3[%dma_start3A_107, %dma_start3A_108] : memref<1000000x64xf32, #tpu.memory_space<hbm>> -> memref<1000000x64xf32, #tpu.memory_space<hbm>>
    tpu.enqueue_indirect_dma source(%dma_start3A_109 : memref<1000000x64xf32, #tpu.memory_space<hbm>>) target(%dma_start3A_103 : memref<72x64xf32, #tpu.memory_space<vmem>>) offsets(%dma_start3A_106 : memref<72xi32, #tpu.memory_space<vmem>>) semaphore(%arg7 : memref<!tpu.dma_semaphore, #tpu.memory_space<semaphore_mem>>)
    %scan3A = arith.constant 0 : i32
    %scan3A_110 = arith.constant 0 : i32
    %scan3A_111 = arith.constant 16 : i32
    %scan3A_112 = arith.addi %scan3A_110, %scan3A_111 : i32
    %scan3A_113 = arith.constant 1 : i32
    scf.for %scan3A_144 = %scan3A_110 to %scan3A_112 step %scan3A_113  : i32 {
      %mul3A_145 = arith.constant 2 : i32
      %mul3A_146 = arith.muli %scan3A_144, %mul3A_145 : i32
      %add3A_147 = arith.constant 0 : i32
      %add3A_148 = arith.addi %mul3A_146, %add3A_147 : i32
      %add3A_149 = arith.constant 1 : i32
      %add3A_150 = arith.addi %add3A_148, %add3A_149 : i32
      %lt3A = arith.constant 32 : i32
      %lt3A_151 = arith.cmpi slt, %add3A_150, %lt3A : i32
      %convert_element_type3A = arith.extui %lt3A_151 : i1 to i32
      %cond3A = arith.constant 0 : i32
      %cond3A_152 = arith.cmpi ne, %convert_element_type3A, %cond3A : i32
      scf.if %cond3A_152 {
        %ge3A = arith.constant 2 : i32
        %ge3A_236 = arith.cmpi sge, %add3A_150, %ge3A : i32
        %convert_element_type3A_237 = arith.extui %ge3A_236 : i1 to i32
        %cond3A_238 = arith.constant 0 : i32
        %cond3A_239 = arith.cmpi ne, %convert_element_type3A_237, %cond3A_238 : i32
        scf.if %cond3A_239 {
          %dma_wait3A_348 = arith.constant 1 : i32
          %dma_wait3A_349 = arith.constant 0 : i32
          %dma_wait3A_350 = arith.constant 0 : i32
          %dma_wait3A_351 = tpu.memref_slice %arg6[%dma_wait3A_348, %dma_wait3A_349, %dma_wait3A_350] : memref<2x800x64xf32, #tpu.memory_space<vmem>> -> memref<1x800x64xf32, #tpu.memory_space<vmem>>
          %dma_wait3A_352 = tpu.memref_squeeze %dma_wait3A_351 : memref<1x800x64xf32, #tpu.memory_space<vmem>> -> memref<800x64xf32, #tpu.memory_space<vmem>>
          %dma_wait3A_353 = arith.constant 0 : i32
          %dma_wait3A_354 = arith.constant 0 : i32
          %dma_wait3A_355 = tpu.memref_slice %arg4[%dma_wait3A_353, %dma_wait3A_354] : memref<819200x64xf32, #tpu.memory_space<hbm>> -> memref<800x64xf32, #tpu.memory_space<hbm>>
          %dma_wait3A_356 = arith.constant 0 : i32
          %dma_wait3A_357 = arith.constant 0 : i32
          %dma_wait3A_358 = tpu.memref_slice %arg4[%dma_wait3A_356, %dma_wait3A_357] : memref<819200x64xf32, #tpu.memory_space<hbm>> -> memref<800x64xf32, #tpu.memory_space<hbm>>
          %dma_wait3A_359 = arith.constant 0 : i32
          %dma_wait3A_360 = arith.constant 0 : i32
          %dma_wait3A_361 = tpu.memref_slice %arg6[%dma_wait3A_348, %dma_wait3A_359, %dma_wait3A_360] : memref<2x800x64xf32, #tpu.memory_space<vmem>> -> memref<1x800x64xf32, #tpu.memory_space<vmem>>
          %dma_wait3A_362 = tpu.memref_squeeze %dma_wait3A_361 : memref<1x800x64xf32, #tpu.memory_space<vmem>> -> memref<800x64xf32, #tpu.memory_space<vmem>>
          tpu.wait_dma2 semaphore(%arg10 : memref<!tpu.dma_semaphore, #tpu.memory_space<semaphore_mem>>) src(%dma_wait3A_362 : memref<800x64xf32, #tpu.memory_space<vmem>>) dst(%dma_wait3A_358 : memref<800x64xf32, #tpu.memory_space<hbm>>)
        } else {
        }
        %mul3A_240 = arith.constant 4 : i32
        %mul3A_241 = arith.muli %add3A_150, %mul3A_240 : i32
        %add3A_242 = arith.addi %mul3A_2, %mul3A_241 : i32
        %run_scoped3A_243 = arith.constant 1 : i32
        "tpu.region"() ({
          %run_scoped3A_348 = tpu.sem_alloc : memref<!tpu.dma_semaphore, #tpu.memory_space<semaphore_mem>>
          %dma_start3A_349 = arith.constant 0 : i32
          %dma_start3A_350 = arith.constant 0 : i32
          %dma_start3A_351 = tpu.memref_slice %arg5[%run_scoped3A_243, %dma_start3A_349, %dma_start3A_350] : memref<2x4x200xi32, #tpu.memory_space<vmem>> -> memref<1x4x200xi32, #tpu.memory_space<vmem>>
          %dma_start3A_352 = tpu.memref_squeeze %dma_start3A_351 : memref<1x4x200xi32, #tpu.memory_space<vmem>> -> memref<4x200xi32, #tpu.memory_space<vmem>>
          %dma_start3A_353 = arith.constant 0 : i32
          %dma_start3A_354 = tpu.memref_slice %arg2[%add3A_242, %dma_start3A_353] : memref<4096x200xi32, #tpu.memory_space<hbm>> -> memref<4x200xi32, #tpu.memory_space<hbm>>
          %dma_start3A_355 = arith.constant 0 : i32
          %dma_start3A_356 = arith.constant 0 : i32
          %dma_start3A_357 = tpu.memref_slice %arg5[%run_scoped3A_243, %dma_start3A_355, %dma_start3A_356] : memref<2x4x200xi32, #tpu.memory_space<vmem>> -> memref<1x4x200xi32, #tpu.memory_space<vmem>>
          %dma_start3A_358 = tpu.memref_squeeze %dma_start3A_357 : memref<1x4x200xi32, #tpu.memory_space<vmem>> -> memref<4x200xi32, #tpu.memory_space<vmem>>
          %dma_start3A_359 = arith.constant 0 : i32
          %dma_start3A_360 = tpu.memref_slice %arg2[%add3A_242, %dma_start3A_359] : memref<4096x200xi32, #tpu.memory_space<hbm>> -> memref<4x200xi32, #tpu.memory_space<hbm>>
          tpu.enqueue_dma source(%dma_start3A_360 : memref<4x200xi32, #tpu.memory_space<hbm>>) target(%dma_start3A_358 : memref<4x200xi32, #tpu.memory_space<vmem>>) target_semaphore(%run_scoped3A_348 : memref<!tpu.dma_semaphore, #tpu.memory_space<semaphore_mem>>)
          %dma_wait3A_361 = arith.constant 0 : i32
          %dma_wait3A_362 = arith.constant 0 : i32
          %dma_wait3A_363 = tpu.memref_slice %arg5[%run_scoped3A_243, %dma_wait3A_361, %dma_wait3A_362] : memref<2x4x200xi32, #tpu.memory_space<vmem>> -> memref<1x4x200xi32, #tpu.memory_space<vmem>>
          %dma_wait3A_364 = tpu.memref_squeeze %dma_wait3A_363 : memref<1x4x200xi32, #tpu.memory_space<vmem>> -> memref<4x200xi32, #tpu.memory_space<vmem>>
          %dma_wait3A_365 = arith.constant 0 : i32
          %dma_wait3A_366 = tpu.memref_slice %arg2[%add3A_242, %dma_wait3A_365] : memref<4096x200xi32, #tpu.memory_space<hbm>> -> memref<4x200xi32, #tpu.memory_space<hbm>>
          %dma_wait3A_367 = arith.constant 0 : i32
          %dma_wait3A_368 = arith.constant 0 : i32
          %dma_wait3A_369 = tpu.memref_slice %arg5[%run_scoped3A_243, %dma_wait3A_367, %dma_wait3A_368] : memref<2x4x200xi32, #tpu.memory_space<vmem>> -> memref<1x4x200xi32, #tpu.memory_space<vmem>>
          %dma_wait3A_370 = tpu.memref_squeeze %dma_wait3A_369 : memref<1x4x200xi32, #tpu.memory_space<vmem>> -> memref<4x200xi32, #tpu.memory_space<vmem>>
          %dma_wait3A_371 = arith.constant 0 : i32
          %dma_wait3A_372 = tpu.memref_slice %arg2[%add3A_242, %dma_wait3A_371] : memref<4096x200xi32, #tpu.memory_space<hbm>> -> memref<4x200xi32, #tpu.memory_space<hbm>>
          tpu.wait_dma2 semaphore(%run_scoped3A_348 : memref<!tpu.dma_semaphore, #tpu.memory_space<semaphore_mem>>) src(%dma_wait3A_372 : memref<4x200xi32, #tpu.memory_space<hbm>>) dst(%dma_wait3A_370 : memref<4x200xi32, #tpu.memory_space<vmem>>)
          tpu.yield
        }) : () -> ()
        %dma_start3A_244 = arith.constant 1 : i32
        %dma_start3A_245 = arith.constant 0 : i32
        %dma_start3A_246 = arith.constant 1 : i32
        %dma_start3A_247 = arith.constant 0 : i32
        %dma_start3A_248 = arith.constant 0 : i32
        %dma_start3A_249 = tpu.memref_slice %arg6[%dma_start3A_246, %dma_start3A_247, %dma_start3A_248] : memref<2x800x64xf32, #tpu.memory_space<vmem>> -> memref<1x128x64xf32, #tpu.memory_space<vmem>>
        %dma_start3A_250 = tpu.memref_squeeze %dma_start3A_249 : memref<1x128x64xf32, #tpu.memory_space<vmem>> -> memref<128x64xf32, #tpu.memory_space<vmem>>
        %dma_start3A_251 = arith.constant 0 : i32
        %dma_start3A_252 = tpu.memref_slice %arg5[%dma_start3A_244, %dma_start3A_245, %dma_start3A_251] : memref<2x4x200xi32, #tpu.memory_space<vmem>> -> memref<1x1x128xi32, #tpu.memory_space<vmem>>
        %dma_start3A_253 = tpu.memref_squeeze %dma_start3A_252 : memref<1x1x128xi32, #tpu.memory_space<vmem>> -> memref<128xi32, #tpu.memory_space<vmem>>
        %dma_start3A_254 = arith.constant 0 : i32
        %dma_start3A_255 = arith.constant 0 : i32
        %dma_start3A_256 = tpu.memref_slice %arg3[%dma_start3A_254, %dma_start3A_255] : memref<1000000x64xf32, #tpu.memory_space<hbm>> -> memref<1000000x64xf32, #tpu.memory_space<hbm>>
        tpu.enqueue_indirect_dma source(%dma_start3A_256 : memref<1000000x64xf32, #tpu.memory_space<hbm>>) target(%dma_start3A_250 : memref<128x64xf32, #tpu.memory_space<vmem>>) offsets(%dma_start3A_253 : memref<128xi32, #tpu.memory_space<vmem>>) semaphore(%arg8 : memref<!tpu.dma_semaphore, #tpu.memory_space<semaphore_mem>>)
        %dma_start3A_257 = arith.constant 1 : i32
        %dma_start3A_258 = arith.constant 0 : i32
        %dma_start3A_259 = arith.constant 1 : i32
        %dma_start3A_260 = arith.constant 128 : i32
        %dma_start3A_261 = arith.constant 0 : i32
        %dma_start3A_262 = tpu.memref_slice %arg6[%dma_start3A_259, %dma_start3A_260, %dma_start3A_261] : memref<2x800x64xf32, #tpu.memory_space<vmem>> -> memref<1x72x64xf32, #tpu.memory_space<vmem>>
        %dma_start3A_263 = tpu.memref_squeeze %dma_start3A_262 : memref<1x72x64xf32, #tpu.memory_space<vmem>> -> memref<72x64xf32, #tpu.memory_space<vmem>>
        %dma_start3A_264 = arith.constant 128 : i32
        %dma_start3A_265 = tpu.memref_slice %arg5[%dma_start3A_257, %dma_start3A_258, %dma_start3A_264] : memref<2x4x200xi32, #tpu.memory_space<vmem>> -> memref<1x1x72xi32, #tpu.memory_space<vmem>>
        %dma_start3A_266 = tpu.memref_squeeze %dma_start3A_265 : memref<1x1x72xi32, #tpu.memory_space<vmem>> -> memref<72xi32, #tpu.memory_space<vmem>>
        %dma_start3A_267 = arith.constant 0 : i32
        %dma_start3A_268 = arith.constant 0 : i32
        %dma_start3A_269 = tpu.memref_slice %arg3[%dma_start3A_267, %dma_start3A_268] : memref<1000000x64xf32, #tpu.memory_space<hbm>> -> memref<1000000x64xf32, #tpu.memory_space<hbm>>
        tpu.enqueue_indirect_dma source(%dma_start3A_269 : memref<1000000x64xf32, #tpu.memory_space<hbm>>) target(%dma_start3A_263 : memref<72x64xf32, #tpu.memory_space<vmem>>) offsets(%dma_start3A_266 : memref<72xi32, #tpu.memory_space<vmem>>) semaphore(%arg8 : memref<!tpu.dma_semaphore, #tpu.memory_space<semaphore_mem>>)
        %dma_start3A_270 = arith.constant 1 : i32
        %dma_start3A_271 = arith.constant 1 : i32
        %dma_start3A_272 = arith.constant 1 : i32
        %dma_start3A_273 = arith.constant 200 : i32
        %dma_start3A_274 = arith.constant 0 : i32
        %dma_start3A_275 = tpu.memref_slice %arg6[%dma_start3A_272, %dma_start3A_273, %dma_start3A_274] : memref<2x800x64xf32, #tpu.memory_space<vmem>> -> memref<1x128x64xf32, #tpu.memory_space<vmem>>
        %dma_start3A_276 = tpu.memref_squeeze %dma_start3A_275 : memref<1x128x64xf32, #tpu.memory_space<vmem>> -> memref<128x64xf32, #tpu.memory_space<vmem>>
        %dma_start3A_277 = arith.constant 0 : i32
        %dma_start3A_278 = tpu.memref_slice %arg5[%dma_start3A_270, %dma_start3A_271, %dma_start3A_277] : memref<2x4x200xi32, #tpu.memory_space<vmem>> -> memref<1x1x128xi32, #tpu.memory_space<vmem>>
        %dma_start3A_279 = tpu.memref_squeeze %dma_start3A_278 : memref<1x1x128xi32, #tpu.memory_space<vmem>> -> memref<128xi32, #tpu.memory_space<vmem>>
        %dma_start3A_280 = arith.constant 0 : i32
        %dma_start3A_281 = arith.constant 0 : i32
        %dma_start3A_282 = tpu.memref_slice %arg3[%dma_start3A_280, %dma_start3A_281] : memref<1000000x64xf32, #tpu.memory_space<hbm>> -> memref<1000000x64xf32, #tpu.memory_space<hbm>>
        tpu.enqueue_indirect_dma source(%dma_start3A_282 : memref<1000000x64xf32, #tpu.memory_space<hbm>>) target(%dma_start3A_276 : memref<128x64xf32, #tpu.memory_space<vmem>>) offsets(%dma_start3A_279 : memref<128xi32, #tpu.memory_space<vmem>>) semaphore(%arg8 : memref<!tpu.dma_semaphore, #tpu.memory_space<semaphore_mem>>)
        %dma_start3A_283 = arith.constant 1 : i32
        %dma_start3A_284 = arith.constant 1 : i32
        %dma_start3A_285 = arith.constant 1 : i32
        %dma_start3A_286 = arith.constant 328 : i32
        %dma_start3A_287 = arith.constant 0 : i32
        %dma_start3A_288 = tpu.memref_slice %arg6[%dma_start3A_285, %dma_start3A_286, %dma_start3A_287] : memref<2x800x64xf32, #tpu.memory_space<vmem>> -> memref<1x72x64xf32, #tpu.memory_space<vmem>>
        %dma_start3A_289 = tpu.memref_squeeze %dma_start3A_288 : memref<1x72x64xf32, #tpu.memory_space<vmem>> -> memref<72x64xf32, #tpu.memory_space<vmem>>
        %dma_start3A_290 = arith.constant 128 : i32
        %dma_start3A_291 = tpu.memref_slice %arg5[%dma_start3A_283, %dma_start3A_284, %dma_start3A_290] : memref<2x4x200xi32, #tpu.memory_space<vmem>> -> memref<1x1x72xi32, #tpu.memory_space<vmem>>
        %dma_start3A_292 = tpu.memref_squeeze %dma_start3A_291 : memref<1x1x72xi32, #tpu.memory_space<vmem>> -> memref<72xi32, #tpu.memory_space<vmem>>
        %dma_start3A_293 = arith.constant 0 : i32
        %dma_start3A_294 = arith.constant 0 : i32
        %dma_start3A_295 = tpu.memref_slice %arg3[%dma_start3A_293, %dma_start3A_294] : memref<1000000x64xf32, #tpu.memory_space<hbm>> -> memref<1000000x64xf32, #tpu.memory_space<hbm>>
        tpu.enqueue_indirect_dma source(%dma_start3A_295 : memref<1000000x64xf32, #tpu.memory_space<hbm>>) target(%dma_start3A_289 : memref<72x64xf32, #tpu.memory_space<vmem>>) offsets(%dma_start3A_292 : memref<72xi32, #tpu.memory_space<vmem>>) semaphore(%arg8 : memref<!tpu.dma_semaphore, #tpu.memory_space<semaphore_mem>>)
        %dma_start3A_296 = arith.constant 1 : i32
        %dma_start3A_297 = arith.constant 2 : i32
        %dma_start3A_298 = arith.constant 1 : i32
        %dma_start3A_299 = arith.constant 400 : i32
        %dma_start3A_300 = arith.constant 0 : i32
        %dma_start3A_301 = tpu.memref_slice %arg6[%dma_start3A_298, %dma_start3A_299, %dma_start3A_300] : memref<2x800x64xf32, #tpu.memory_space<vmem>> -> memref<1x128x64xf32, #tpu.memory_space<vmem>>
        %dma_start3A_302 = tpu.memref_squeeze %dma_start3A_301 : memref<1x128x64xf32, #tpu.memory_space<vmem>> -> memref<128x64xf32, #tpu.memory_space<vmem>>
        %dma_start3A_303 = arith.constant 0 : i32
        %dma_start3A_304 = tpu.memref_slice %arg5[%dma_start3A_296, %dma_start3A_297, %dma_start3A_303] : memref<2x4x200xi32, #tpu.memory_space<vmem>> -> memref<1x1x128xi32, #tpu.memory_space<vmem>>
        %dma_start3A_305 = tpu.memref_squeeze %dma_start3A_304 : memref<1x1x128xi32, #tpu.memory_space<vmem>> -> memref<128xi32, #tpu.memory_space<vmem>>
        %dma_start3A_306 = arith.constant 0 : i32
        %dma_start3A_307 = arith.constant 0 : i32
        %dma_start3A_308 = tpu.memref_slice %arg3[%dma_start3A_306, %dma_start3A_307] : memref<1000000x64xf32, #tpu.memory_space<hbm>> -> memref<1000000x64xf32, #tpu.memory_space<hbm>>
        tpu.enqueue_indirect_dma source(%dma_start3A_308 : memref<1000000x64xf32, #tpu.memory_space<hbm>>) target(%dma_start3A_302 : memref<128x64xf32, #tpu.memory_space<vmem>>) offsets(%dma_start3A_305 : memref<128xi32, #tpu.memory_space<vmem>>) semaphore(%arg8 : memref<!tpu.dma_semaphore, #tpu.memory_space<semaphore_mem>>)
        %dma_start3A_309 = arith.constant 1 : i32
        %dma_start3A_310 = arith.constant 2 : i32
        %dma_start3A_311 = arith.constant 1 : i32
        %dma_start3A_312 = arith.constant 528 : i32
        %dma_start3A_313 = arith.constant 0 : i32
        %dma_start3A_314 = tpu.memref_slice %arg6[%dma_start3A_311, %dma_start3A_312, %dma_start3A_313] : memref<2x800x64xf32, #tpu.memory_space<vmem>> -> memref<1x72x64xf32, #tpu.memory_space<vmem>>
        %dma_start3A_315 = tpu.memref_squeeze %dma_start3A_314 : memref<1x72x64xf32, #tpu.memory_space<vmem>> -> memref<72x64xf32, #tpu.memory_space<vmem>>
        %dma_start3A_316 = arith.constant 128 : i32
        %dma_start3A_317 = tpu.memref_slice %arg5[%dma_start3A_309, %dma_start3A_310, %dma_start3A_316] : memref<2x4x200xi32, #tpu.memory_space<vmem>> -> memref<1x1x72xi32, #tpu.memory_space<vmem>>
        %dma_start3A_318 = tpu.memref_squeeze %dma_start3A_317 : memref<1x1x72xi32, #tpu.memory_space<vmem>> -> memref<72xi32, #tpu.memory_space<vmem>>
        %dma_start3A_319 = arith.constant 0 : i32
        %dma_start3A_320 = arith.constant 0 : i32
        %dma_start3A_321 = tpu.memref_slice %arg3[%dma_start3A_319, %dma_start3A_320] : memref<1000000x64xf32, #tpu.memory_space<hbm>> -> memref<1000000x64xf32, #tpu.memory_space<hbm>>
        tpu.enqueue_indirect_dma source(%dma_start3A_321 : memref<1000000x64xf32, #tpu.memory_space<hbm>>) target(%dma_start3A_315 : memref<72x64xf32, #tpu.memory_space<vmem>>) offsets(%dma_start3A_318 : memref<72xi32, #tpu.memory_space<vmem>>) semaphore(%arg8 : memref<!tpu.dma_semaphore, #tpu.memory_space<semaphore_mem>>)
        %dma_start3A_322 = arith.constant 1 : i32
        %dma_start3A_323 = arith.constant 3 : i32
        %dma_start3A_324 = arith.constant 1 : i32
        %dma_start3A_325 = arith.constant 600 : i32
        %dma_start3A_326 = arith.constant 0 : i32
        %dma_start3A_327 = tpu.memref_slice %arg6[%dma_start3A_324, %dma_start3A_325, %dma_start3A_326] : memref<2x800x64xf32, #tpu.memory_space<vmem>> -> memref<1x128x64xf32, #tpu.memory_space<vmem>>
        %dma_start3A_328 = tpu.memref_squeeze %dma_start3A_327 : memref<1x128x64xf32, #tpu.memory_space<vmem>> -> memref<128x64xf32, #tpu.memory_space<vmem>>
        %dma_start3A_329 = arith.constant 0 : i32
        %dma_start3A_330 = tpu.memref_slice %arg5[%dma_start3A_322, %dma_start3A_323, %dma_start3A_329] : memref<2x4x200xi32, #tpu.memory_space<vmem>> -> memref<1x1x128xi32, #tpu.memory_space<vmem>>
        %dma_start3A_331 = tpu.memref_squeeze %dma_start3A_330 : memref<1x1x128xi32, #tpu.memory_space<vmem>> -> memref<128xi32, #tpu.memory_space<vmem>>
        %dma_start3A_332 = arith.constant 0 : i32
        %dma_start3A_333 = arith.constant 0 : i32
        %dma_start3A_334 = tpu.memref_slice %arg3[%dma_start3A_332, %dma_start3A_333] : memref<1000000x64xf32, #tpu.memory_space<hbm>> -> memref<1000000x64xf32, #tpu.memory_space<hbm>>
        tpu.enqueue_indirect_dma source(%dma_start3A_334 : memref<1000000x64xf32, #tpu.memory_space<hbm>>) target(%dma_start3A_328 : memref<128x64xf32, #tpu.memory_space<vmem>>) offsets(%dma_start3A_331 : memref<128xi32, #tpu.memory_space<vmem>>) semaphore(%arg8 : memref<!tpu.dma_semaphore, #tpu.memory_space<semaphore_mem>>)
        %dma_start3A_335 = arith.constant 1 : i32
        %dma_start3A_336 = arith.constant 3 : i32
        %dma_start3A_337 = arith.constant 1 : i32
        %dma_start3A_338 = arith.constant 728 : i32
        %dma_start3A_339 = arith.constant 0 : i32
        %dma_start3A_340 = tpu.memref_slice %arg6[%dma_start3A_337, %dma_start3A_338, %dma_start3A_339] : memref<2x800x64xf32, #tpu.memory_space<vmem>> -> memref<1x72x64xf32, #tpu.memory_space<vmem>>
        %dma_start3A_341 = tpu.memref_squeeze %dma_start3A_340 : memref<1x72x64xf32, #tpu.memory_space<vmem>> -> memref<72x64xf32, #tpu.memory_space<vmem>>
        %dma_start3A_342 = arith.constant 128 : i32
        %dma_start3A_343 = tpu.memref_slice %arg5[%dma_start3A_335, %dma_start3A_336, %dma_start3A_342] : memref<2x4x200xi32, #tpu.memory_space<vmem>> -> memref<1x1x72xi32, #tpu.memory_space<vmem>>
        %dma_start3A_344 = tpu.memref_squeeze %dma_start3A_343 : memref<1x1x72xi32, #tpu.memory_space<vmem>> -> memref<72xi32, #tpu.memory_space<vmem>>
        %dma_start3A_345 = arith.constant 0 : i32
        %dma_start3A_346 = arith.constant 0 : i32
        %dma_start3A_347 = tpu.memref_slice %arg3[%dma_start3A_345, %dma_start3A_346] : memref<1000000x64xf32, #tpu.memory_space<hbm>> -> memref<1000000x64xf32, #tpu.memory_space<hbm>>
        tpu.enqueue_indirect_dma source(%dma_start3A_347 : memref<1000000x64xf32, #tpu.memory_space<hbm>>) target(%dma_start3A_341 : memref<72x64xf32, #tpu.memory_space<vmem>>) offsets(%dma_start3A_344 : memref<72xi32, #tpu.memory_space<vmem>>) semaphore(%arg8 : memref<!tpu.dma_semaphore, #tpu.memory_space<semaphore_mem>>)
      } else {
      }
      %dma_wait3A_153 = arith.constant 0 : i32
      %dma_wait3A_154 = arith.constant 0 : i32
      %dma_wait3A_155 = arith.constant 0 : i32
      %dma_wait3A_156 = tpu.memref_slice %arg6[%dma_wait3A_153, %dma_wait3A_154, %dma_wait3A_155] : memref<2x800x64xf32, #tpu.memory_space<vmem>> -> memref<1x800x64xf32, #tpu.memory_space<vmem>>
      %dma_wait3A_157 = tpu.memref_squeeze %dma_wait3A_156 : memref<1x800x64xf32, #tpu.memory_space<vmem>> -> memref<800x64xf32, #tpu.memory_space<vmem>>
      %dma_wait3A_158 = arith.constant 0 : i32
      %dma_wait3A_159 = arith.constant 0 : i32
      %dma_wait3A_160 = tpu.memref_slice %arg3[%dma_wait3A_158, %dma_wait3A_159] : memref<1000000x64xf32, #tpu.memory_space<hbm>> -> memref<800x64xf32, #tpu.memory_space<hbm>>
      %dma_wait3A_161 = arith.constant 0 : i32
      %dma_wait3A_162 = arith.constant 0 : i32
      %dma_wait3A_163 = tpu.memref_slice %arg6[%dma_wait3A_153, %dma_wait3A_161, %dma_wait3A_162] : memref<2x800x64xf32, #tpu.memory_space<vmem>> -> memref<1x800x64xf32, #tpu.memory_space<vmem>>
      %dma_wait3A_164 = tpu.memref_squeeze %dma_wait3A_163 : memref<1x800x64xf32, #tpu.memory_space<vmem>> -> memref<800x64xf32, #tpu.memory_space<vmem>>
      %dma_wait3A_165 = arith.constant 0 : i32
      %dma_wait3A_166 = arith.constant 0 : i32
      %dma_wait3A_167 = tpu.memref_slice %arg3[%dma_wait3A_165, %dma_wait3A_166] : memref<1000000x64xf32, #tpu.memory_space<hbm>> -> memref<800x64xf32, #tpu.memory_space<hbm>>
      tpu.wait_dma2 semaphore(%arg7 : memref<!tpu.dma_semaphore, #tpu.memory_space<semaphore_mem>>) src(%dma_wait3A_167 : memref<800x64xf32, #tpu.memory_space<hbm>>) dst(%dma_wait3A_164 : memref<800x64xf32, #tpu.memory_space<vmem>>)
      %scan3A_168 = arith.constant 0 : i32
      %scan3A_169 = arith.constant 0 : i32
      %scan3A_170 = arith.constant 800 : i32
      %scan3A_171 = arith.addi %scan3A_169, %scan3A_170 : i32
      %scan3A_172 = arith.constant 4 : i32
      scf.for %scan3A_236 = %scan3A_169 to %scan3A_171 step %scan3A_172  : i32 {
        %get3A = arith.constant 0 : i32
        %get3A_237 = arith.index_cast %get3A : i32 to index
        %get3A_238 = arith.index_cast %scan3A_236 : i32 to index
        %get3A_239 = arith.constant 0 : index
        %get3A_240 = tpu.vector_load %arg6[%get3A_237, %get3A_238, %get3A_239] {strides = array<i32>} : memref<2x800x64xf32, #tpu.memory_space<vmem>>, vector<1x1x16xf32>,
        %get3A_241 = vector.shape_cast %get3A_240 : vector<1x1x16xf32> to vector<16xf32>
        %mul3A_242 = arith.constant 8.000000e+00 : f32
        %mul3A_243 = vector.broadcast %mul3A_242 : f32 to vector<16xf32>
        %mul3A_244 = arith.mulf %get3A_241, %mul3A_243 : vector<16xf32>
        %swap3A = arith.constant 0 : i32
        %swap3A_245 = arith.index_cast %swap3A : i32 to index
        %swap3A_246 = arith.index_cast %scan3A_236 : i32 to index
        %swap3A_247 = arith.constant 0 : index
        %swap3A_248 = tpu.vector_load %arg6[%swap3A_245, %swap3A_246, %swap3A_247] {strides = array<i32>} : memref<2x800x64xf32, #tpu.memory_space<vmem>>, vector<1x1x16xf32>,
        %swap3A_249 = vector.shape_cast %swap3A_248 : vector<1x1x16xf32> to vector<16xf32>
        %swap3A_250 = vector.shape_cast %mul3A_244 : vector<16xf32> to vector<1x1x16xf32>
        tpu.vector_store %arg6[%swap3A_245, %swap3A_246, %swap3A_247], %swap3A_250 {strides = array<i32>} : memref<2x800x64xf32, #tpu.memory_space<vmem>>, vector<1x1x16xf32>,
        %get3A_251 = arith.constant 0 : i32
        %get3A_252 = arith.index_cast %get3A_251 : i32 to index
        %get3A_253 = arith.index_cast %scan3A_236 : i32 to index
        %get3A_254 = arith.constant 16 : index
        %get3A_255 = tpu.vector_load %arg6[%get3A_252, %get3A_253, %get3A_254] {strides = array<i32>} : memref<2x800x64xf32, #tpu.memory_space<vmem>>, vector<1x1x16xf32>,
        %get3A_256 = vector.shape_cast %get3A_255 : vector<1x1x16xf32> to vector<16xf32>
        %mul3A_257 = arith.constant 8.000000e+00 : f32
        %mul3A_258 = vector.broadcast %mul3A_257 : f32 to vector<16xf32>
        %mul3A_259 = arith.mulf %get3A_256, %mul3A_258 : vector<16xf32>
        %swap3A_260 = arith.constant 0 : i32
        %swap3A_261 = arith.index_cast %swap3A_260 : i32 to index
        %swap3A_262 = arith.index_cast %scan3A_236 : i32 to index
        %swap3A_263 = arith.constant 16 : index
        %swap3A_264 = tpu.vector_load %arg6[%swap3A_261, %swap3A_262, %swap3A_263] {strides = array<i32>} : memref<2x800x64xf32, #tpu.memory_space<vmem>>, vector<1x1x16xf32>,
        %swap3A_265 = vector.shape_cast %swap3A_264 : vector<1x1x16xf32> to vector<16xf32>
        %swap3A_266 = vector.shape_cast %mul3A_259 : vector<16xf32> to vector<1x1x16xf32>
        tpu.vector_store %arg6[%swap3A_261, %swap3A_262, %swap3A_263], %swap3A_266 {strides = array<i32>} : memref<2x800x64xf32, #tpu.memory_space<vmem>>, vector<1x1x16xf32>,
        %get3A_267 = arith.constant 0 : i32
        %get3A_268 = arith.index_cast %get3A_267 : i32 to index
        %get3A_269 = arith.index_cast %scan3A_236 : i32 to index
        %get3A_270 = arith.constant 32 : index
        %get3A_271 = tpu.vector_load %arg6[%get3A_268, %get3A_269, %get3A_270] {strides = array<i32>} : memref<2x800x64xf32, #tpu.memory_space<vmem>>, vector<1x1x16xf32>,
        %get3A_272 = vector.shape_cast %get3A_271 : vector<1x1x16xf32> to vector<16xf32>
        %mul3A_273 = arith.constant 8.000000e+00 : f32
        %mul3A_274 = vector.broadcast %mul3A_273 : f32 to vector<16xf32>
        %mul3A_275 = arith.mulf %get3A_272, %mul3A_274 : vector<16xf32>
        %swap3A_276 = arith.constant 0 : i32
        %swap3A_277 = arith.index_cast %swap3A_276 : i32 to index
        %swap3A_278 = arith.index_cast %scan3A_236 : i32 to index
        %swap3A_279 = arith.constant 32 : index
        %swap3A_280 = tpu.vector_load %arg6[%swap3A_277, %swap3A_278, %swap3A_279] {strides = array<i32>} : memref<2x800x64xf32, #tpu.memory_space<vmem>>, vector<1x1x16xf32>,
        %swap3A_281 = vector.shape_cast %swap3A_280 : vector<1x1x16xf32> to vector<16xf32>
        %swap3A_282 = vector.shape_cast %mul3A_275 : vector<16xf32> to vector<1x1x16xf32>
        tpu.vector_store %arg6[%swap3A_277, %swap3A_278, %swap3A_279], %swap3A_282 {strides = array<i32>} : memref<2x800x64xf32, #tpu.memory_space<vmem>>, vector<1x1x16xf32>,
        %get3A_283 = arith.constant 0 : i32
        %get3A_284 = arith.index_cast %get3A_283 : i32 to index
        %get3A_285 = arith.index_cast %scan3A_236 : i32 to index
        %get3A_286 = arith.constant 48 : index
        %get3A_287 = tpu.vector_load %arg6[%get3A_284, %get3A_285, %get3A_286] {strides = array<i32>} : memref<2x800x64xf32, #tpu.memory_space<vmem>>, vector<1x1x16xf32>,
        %get3A_288 = vector.shape_cast %get3A_287 : vector<1x1x16xf32> to vector<16xf32>
        %mul3A_289 = arith.constant 8.000000e+00 : f32
        %mul3A_290 = vector.broadcast %mul3A_289 : f32 to vector<16xf32>
        %mul3A_291 = arith.mulf %get3A_288, %mul3A_290 : vector<16xf32>
        %swap3A_292 = arith.constant 0 : i32
        %swap3A_293 = arith.index_cast %swap3A_292 : i32 to index
        %swap3A_294 = arith.index_cast %scan3A_236 : i32 to index
        %swap3A_295 = arith.constant 48 : index
        %swap3A_296 = tpu.vector_load %arg6[%swap3A_293, %swap3A_294, %swap3A_295] {strides = array<i32>} : memref<2x800x64xf32, #tpu.memory_space<vmem>>, vector<1x1x16xf32>,
        %swap3A_297 = vector.shape_cast %swap3A_296 : vector<1x1x16xf32> to vector<16xf32>
        %swap3A_298 = vector.shape_cast %mul3A_291 : vector<16xf32> to vector<1x1x16xf32>
        tpu.vector_store %arg6[%swap3A_293, %swap3A_294, %swap3A_295], %swap3A_298 {strides = array<i32>} : memref<2x800x64xf32, #tpu.memory_space<vmem>>, vector<1x1x16xf32>,
        %scan3A_299 = arith.constant 1 : i32
        %scan3A_300 = arith.addi %scan3A_236, %scan3A_299 : i32
        %get3A_301 = arith.constant 0 : i32
        %get3A_302 = arith.index_cast %get3A_301 : i32 to index
        %get3A_303 = arith.index_cast %scan3A_300 : i32 to index
        %get3A_304 = arith.constant 0 : index
        %get3A_305 = tpu.vector_load %arg6[%get3A_302, %get3A_303, %get3A_304] {strides = array<i32>} : memref<2x800x64xf32, #tpu.memory_space<vmem>>, vector<1x1x16xf32>,
        %get3A_306 = vector.shape_cast %get3A_305 : vector<1x1x16xf32> to vector<16xf32>
        %mul3A_307 = arith.constant 8.000000e+00 : f32
        %mul3A_308 = vector.broadcast %mul3A_307 : f32 to vector<16xf32>
        %mul3A_309 = arith.mulf %get3A_306, %mul3A_308 : vector<16xf32>
        %swap3A_310 = arith.constant 0 : i32
        %swap3A_311 = arith.index_cast %swap3A_310 : i32 to index
        %swap3A_312 = arith.index_cast %scan3A_300 : i32 to index
        %swap3A_313 = arith.constant 0 : index
        %swap3A_314 = tpu.vector_load %arg6[%swap3A_311, %swap3A_312, %swap3A_313] {strides = array<i32>} : memref<2x800x64xf32, #tpu.memory_space<vmem>>, vector<1x1x16xf32>,
        %swap3A_315 = vector.shape_cast %swap3A_314 : vector<1x1x16xf32> to vector<16xf32>
        %swap3A_316 = vector.shape_cast %mul3A_309 : vector<16xf32> to vector<1x1x16xf32>
        tpu.vector_store %arg6[%swap3A_311, %swap3A_312, %swap3A_313], %swap3A_316 {strides = array<i32>} : memref<2x800x64xf32, #tpu.memory_space<vmem>>, vector<1x1x16xf32>,
        %get3A_317 = arith.constant 0 : i32
        %get3A_318 = arith.index_cast %get3A_317 : i32 to index
        %get3A_319 = arith.index_cast %scan3A_300 : i32 to index
        %get3A_320 = arith.constant 16 : index
        %get3A_321 = tpu.vector_load %arg6[%get3A_318, %get3A_319, %get3A_320] {strides = array<i32>} : memref<2x800x64xf32, #tpu.memory_space<vmem>>, vector<1x1x16xf32>,
        %get3A_322 = vector.shape_cast %get3A_321 : vector<1x1x16xf32> to vector<16xf32>
        %mul3A_323 = arith.constant 8.000000e+00 : f32
        %mul3A_324 = vector.broadcast %mul3A_323 : f32 to vector<16xf32>
        %mul3A_325 = arith.mulf %get3A_322, %mul3A_324 : vector<16xf32>
        %swap3A_326 = arith.constant 0 : i32
        %swap3A_327 = arith.index_cast %swap3A_326 : i32 to index
        %swap3A_328 = arith.index_cast %scan3A_300 : i32 to index
        %swap3A_329 = arith.constant 16 : index
        %swap3A_330 = tpu.vector_load %arg6[%swap3A_327, %swap3A_328, %swap3A_329] {strides = array<i32>} : memref<2x800x64xf32, #tpu.memory_space<vmem>>, vector<1x1x16xf32>,
        %swap3A_331 = vector.shape_cast %swap3A_330 : vector<1x1x16xf32> to vector<16xf32>
        %swap3A_332 = vector.shape_cast %mul3A_325 : vector<16xf32> to vector<1x1x16xf32>
        tpu.vector_store %arg6[%swap3A_327, %swap3A_328, %swap3A_329], %swap3A_332 {strides = array<i32>} : memref<2x800x64xf32, #tpu.memory_space<vmem>>, vector<1x1x16xf32>,
        %get3A_333 = arith.constant 0 : i32
        %get3A_334 = arith.index_cast %get3A_333 : i32 to index
        %get3A_335 = arith.index_cast %scan3A_300 : i32 to index
        %get3A_336 = arith.constant 32 : index
        %get3A_337 = tpu.vector_load %arg6[%get3A_334, %get3A_335, %get3A_336] {strides = array<i32>} : memref<2x800x64xf32, #tpu.memory_space<vmem>>, vector<1x1x16xf32>,
        %get3A_338 = vector.shape_cast %get3A_337 : vector<1x1x16xf32> to vector<16xf32>
        %mul3A_339 = arith.constant 8.000000e+00 : f32
        %mul3A_340 = vector.broadcast %mul3A_339 : f32 to vector<16xf32>
        %mul3A_341 = arith.mulf %get3A_338, %mul3A_340 : vector<16xf32>
        %swap3A_342 = arith.constant 0 : i32
        %swap3A_343 = arith.index_cast %swap3A_342 : i32 to index
        %swap3A_344 = arith.index_cast %scan3A_300 : i32 to index
        %swap3A_345 = arith.constant 32 : index
        %swap3A_346 = tpu.vector_load %arg6[%swap3A_343, %swap3A_344, %swap3A_345] {strides = array<i32>} : memref<2x800x64xf32, #tpu.memory_space<vmem>>, vector<1x1x16xf32>,
        %swap3A_347 = vector.shape_cast %swap3A_346 : vector<1x1x16xf32> to vector<16xf32>
        %swap3A_348 = vector.shape_cast %mul3A_341 : vector<16xf32> to vector<1x1x16xf32>
        tpu.vector_store %arg6[%swap3A_343, %swap3A_344, %swap3A_345], %swap3A_348 {strides = array<i32>} : memref<2x800x64xf32, #tpu.memory_space<vmem>>, vector<1x1x16xf32>,
        %get3A_349 = arith.constant 0 : i32
        %get3A_350 = arith.index_cast %get3A_349 : i32 to index
        %get3A_351 = arith.index_cast %scan3A_300 : i32 to index
        %get3A_352 = arith.constant 48 : index
        %get3A_353 = tpu.vector_load %arg6[%get3A_350, %get3A_351, %get3A_352] {strides = array<i32>} : memref<2x800x64xf32, #tpu.memory_space<vmem>>, vector<1x1x16xf32>,
        %get3A_354 = vector.shape_cast %get3A_353 : vector<1x1x16xf32> to vector<16xf32>
        %mul3A_355 = arith.constant 8.000000e+00 : f32
        %mul3A_356 = vector.broadcast %mul3A_355 : f32 to vector<16xf32>
        %mul3A_357 = arith.mulf %get3A_354, %mul3A_356 : vector<16xf32>
        %swap3A_358 = arith.constant 0 : i32
        %swap3A_359 = arith.index_cast %swap3A_358 : i32 to index
        %swap3A_360 = arith.index_cast %scan3A_300 : i32 to index
        %swap3A_361 = arith.constant 48 : index
        %swap3A_362 = tpu.vector_load %arg6[%swap3A_359, %swap3A_360, %swap3A_361] {strides = array<i32>} : memref<2x800x64xf32, #tpu.memory_space<vmem>>, vector<1x1x16xf32>,
        %swap3A_363 = vector.shape_cast %swap3A_362 : vector<1x1x16xf32> to vector<16xf32>
        %swap3A_364 = vector.shape_cast %mul3A_357 : vector<16xf32> to vector<1x1x16xf32>
        tpu.vector_store %arg6[%swap3A_359, %swap3A_360, %swap3A_361], %swap3A_364 {strides = array<i32>} : memref<2x800x64xf32, #tpu.memory_space<vmem>>, vector<1x1x16xf32>,
        %scan3A_365 = arith.constant 2 : i32
        %scan3A_366 = arith.addi %scan3A_236, %scan3A_365 : i32
        %get3A_367 = arith.constant 0 : i32
        %get3A_368 = arith.index_cast %get3A_367 : i32 to index
        %get3A_369 = arith.index_cast %scan3A_366 : i32 to index
        %get3A_370 = arith.constant 0 : index
        %get3A_371 = tpu.vector_load %arg6[%get3A_368, %get3A_369, %get3A_370] {strides = array<i32>} : memref<2x800x64xf32, #tpu.memory_space<vmem>>, vector<1x1x16xf32>,
        %get3A_372 = vector.shape_cast %get3A_371 : vector<1x1x16xf32> to vector<16xf32>
        %mul3A_373 = arith.constant 8.000000e+00 : f32
        %mul3A_374 = vector.broadcast %mul3A_373 : f32 to vector<16xf32>
        %mul3A_375 = arith.mulf %get3A_372, %mul3A_374 : vector<16xf32>
        %swap3A_376 = arith.constant 0 : i32
        %swap3A_377 = arith.index_cast %swap3A_376 : i32 to index
        %swap3A_378 = arith.index_cast %scan3A_366 : i32 to index
        %swap3A_379 = arith.constant 0 : index
        %swap3A_380 = tpu.vector_load %arg6[%swap3A_377, %swap3A_378, %swap3A_379] {strides = array<i32>} : memref<2x800x64xf32, #tpu.memory_space<vmem>>, vector<1x1x16xf32>,
        %swap3A_381 = vector.shape_cast %swap3A_380 : vector<1x1x16xf32> to vector<16xf32>
        %swap3A_382 = vector.shape_cast %mul3A_375 : vector<16xf32> to vector<1x1x16xf32>
        tpu.vector_store %arg6[%swap3A_377, %swap3A_378, %swap3A_379], %swap3A_382 {strides = array<i32>} : memref<2x800x64xf32, #tpu.memory_space<vmem>>, vector<1x1x16xf32>,
        %get3A_383 = arith.constant 0 : i32
        %get3A_384 = arith.index_cast %get3A_383 : i32 to index
        %get3A_385 = arith.index_cast %scan3A_366 : i32 to index
        %get3A_386 = arith.constant 16 : index
        %get3A_387 = tpu.vector_load %arg6[%get3A_384, %get3A_385, %get3A_386] {strides = array<i32>} : memref<2x800x64xf32, #tpu.memory_space<vmem>>, vector<1x1x16xf32>,
        %get3A_388 = vector.shape_cast %get3A_387 : vector<1x1x16xf32> to vector<16xf32>
        %mul3A_389 = arith.constant 8.000000e+00 : f32
        %mul3A_390 = vector.broadcast %mul3A_389 : f32 to vector<16xf32>
        %mul3A_391 = arith.mulf %get3A_388, %mul3A_390 : vector<16xf32>
        %swap3A_392 = arith.constant 0 : i32
        %swap3A_393 = arith.index_cast %swap3A_392 : i32 to index
        %swap3A_394 = arith.index_cast %scan3A_366 : i32 to index
        %swap3A_395 = arith.constant 16 : index
        %swap3A_396 = tpu.vector_load %arg6[%swap3A_393, %swap3A_394, %swap3A_395] {strides = array<i32>} : memref<2x800x64xf32, #tpu.memory_space<vmem>>, vector<1x1x16xf32>,
        %swap3A_397 = vector.shape_cast %swap3A_396 : vector<1x1x16xf32> to vector<16xf32>
        %swap3A_398 = vector.shape_cast %mul3A_391 : vector<16xf32> to vector<1x1x16xf32>
        tpu.vector_store %arg6[%swap3A_393, %swap3A_394, %swap3A_395], %swap3A_398 {strides = array<i32>} : memref<2x800x64xf32, #tpu.memory_space<vmem>>, vector<1x1x16xf32>,
        %get3A_399 = arith.constant 0 : i32
        %get3A_400 = arith.index_cast %get3A_399 : i32 to index
        %get3A_401 = arith.index_cast %scan3A_366 : i32 to index
        %get3A_402 = arith.constant 32 : index
        %get3A_403 = tpu.vector_load %arg6[%get3A_400, %get3A_401, %get3A_402] {strides = array<i32>} : memref<2x800x64xf32, #tpu.memory_space<vmem>>, vector<1x1x16xf32>,
        %get3A_404 = vector.shape_cast %get3A_403 : vector<1x1x16xf32> to vector<16xf32>
        %mul3A_405 = arith.constant 8.000000e+00 : f32
        %mul3A_406 = vector.broadcast %mul3A_405 : f32 to vector<16xf32>
        %mul3A_407 = arith.mulf %get3A_404, %mul3A_406 : vector<16xf32>
        %swap3A_408 = arith.constant 0 : i32
        %swap3A_409 = arith.index_cast %swap3A_408 : i32 to index
        %swap3A_410 = arith.index_cast %scan3A_366 : i32 to index
        %swap3A_411 = arith.constant 32 : index
        %swap3A_412 = tpu.vector_load %arg6[%swap3A_409, %swap3A_410, %swap3A_411] {strides = array<i32>} : memref<2x800x64xf32, #tpu.memory_space<vmem>>, vector<1x1x16xf32>,
        %swap3A_413 = vector.shape_cast %swap3A_412 : vector<1x1x16xf32> to vector<16xf32>
        %swap3A_414 = vector.shape_cast %mul3A_407 : vector<16xf32> to vector<1x1x16xf32>
        tpu.vector_store %arg6[%swap3A_409, %swap3A_410, %swap3A_411], %swap3A_414 {strides = array<i32>} : memref<2x800x64xf32, #tpu.memory_space<vmem>>, vector<1x1x16xf32>,
        %get3A_415 = arith.constant 0 : i32
        %get3A_416 = arith.index_cast %get3A_415 : i32 to index
        %get3A_417 = arith.index_cast %scan3A_366 : i32 to index
        %get3A_418 = arith.constant 48 : index
        %get3A_419 = tpu.vector_load %arg6[%get3A_416, %get3A_417, %get3A_418] {strides = array<i32>} : memref<2x800x64xf32, #tpu.memory_space<vmem>>, vector<1x1x16xf32>,
        %get3A_420 = vector.shape_cast %get3A_419 : vector<1x1x16xf32> to vector<16xf32>
        %mul3A_421 = arith.constant 8.000000e+00 : f32
        %mul3A_422 = vector.broadcast %mul3A_421 : f32 to vector<16xf32>
        %mul3A_423 = arith.mulf %get3A_420, %mul3A_422 : vector<16xf32>
        %swap3A_424 = arith.constant 0 : i32
        %swap3A_425 = arith.index_cast %swap3A_424 : i32 to index
        %swap3A_426 = arith.index_cast %scan3A_366 : i32 to index
        %swap3A_427 = arith.constant 48 : index
        %swap3A_428 = tpu.vector_load %arg6[%swap3A_425, %swap3A_426, %swap3A_427] {strides = array<i32>} : memref<2x800x64xf32, #tpu.memory_space<vmem>>, vector<1x1x16xf32>,
        %swap3A_429 = vector.shape_cast %swap3A_428 : vector<1x1x16xf32> to vector<16xf32>
        %swap3A_430 = vector.shape_cast %mul3A_423 : vector<16xf32> to vector<1x1x16xf32>
        tpu.vector_store %arg6[%swap3A_425, %swap3A_426, %swap3A_427], %swap3A_430 {strides = array<i32>} : memref<2x800x64xf32, #tpu.memory_space<vmem>>, vector<1x1x16xf32>,
        %scan3A_431 = arith.constant 3 : i32
        %scan3A_432 = arith.addi %scan3A_236, %scan3A_431 : i32
        %get3A_433 = arith.constant 0 : i32
        %get3A_434 = arith.index_cast %get3A_433 : i32 to index
        %get3A_435 = arith.index_cast %scan3A_432 : i32 to index
        %get3A_436 = arith.constant 0 : index
        %get3A_437 = tpu.vector_load %arg6[%get3A_434, %get3A_435, %get3A_436] {strides = array<i32>} : memref<2x800x64xf32, #tpu.memory_space<vmem>>, vector<1x1x16xf32>,
        %get3A_438 = vector.shape_cast %get3A_437 : vector<1x1x16xf32> to vector<16xf32>
        %mul3A_439 = arith.constant 8.000000e+00 : f32
        %mul3A_440 = vector.broadcast %mul3A_439 : f32 to vector<16xf32>
        %mul3A_441 = arith.mulf %get3A_438, %mul3A_440 : vector<16xf32>
        %swap3A_442 = arith.constant 0 : i32
        %swap3A_443 = arith.index_cast %swap3A_442 : i32 to index
        %swap3A_444 = arith.index_cast %scan3A_432 : i32 to index
        %swap3A_445 = arith.constant 0 : index
        %swap3A_446 = tpu.vector_load %arg6[%swap3A_443, %swap3A_444, %swap3A_445] {strides = array<i32>} : memref<2x800x64xf32, #tpu.memory_space<vmem>>, vector<1x1x16xf32>,
        %swap3A_447 = vector.shape_cast %swap3A_446 : vector<1x1x16xf32> to vector<16xf32>
        %swap3A_448 = vector.shape_cast %mul3A_441 : vector<16xf32> to vector<1x1x16xf32>
        tpu.vector_store %arg6[%swap3A_443, %swap3A_444, %swap3A_445], %swap3A_448 {strides = array<i32>} : memref<2x800x64xf32, #tpu.memory_space<vmem>>, vector<1x1x16xf32>,
        %get3A_449 = arith.constant 0 : i32
        %get3A_450 = arith.index_cast %get3A_449 : i32 to index
        %get3A_451 = arith.index_cast %scan3A_432 : i32 to index
        %get3A_452 = arith.constant 16 : index
        %get3A_453 = tpu.vector_load %arg6[%get3A_450, %get3A_451, %get3A_452] {strides = array<i32>} : memref<2x800x64xf32, #tpu.memory_space<vmem>>, vector<1x1x16xf32>,
        %get3A_454 = vector.shape_cast %get3A_453 : vector<1x1x16xf32> to vector<16xf32>
        %mul3A_455 = arith.constant 8.000000e+00 : f32
        %mul3A_456 = vector.broadcast %mul3A_455 : f32 to vector<16xf32>
        %mul3A_457 = arith.mulf %get3A_454, %mul3A_456 : vector<16xf32>
        %swap3A_458 = arith.constant 0 : i32
        %swap3A_459 = arith.index_cast %swap3A_458 : i32 to index
        %swap3A_460 = arith.index_cast %scan3A_432 : i32 to index
        %swap3A_461 = arith.constant 16 : index
        %swap3A_462 = tpu.vector_load %arg6[%swap3A_459, %swap3A_460, %swap3A_461] {strides = array<i32>} : memref<2x800x64xf32, #tpu.memory_space<vmem>>, vector<1x1x16xf32>,
        %swap3A_463 = vector.shape_cast %swap3A_462 : vector<1x1x16xf32> to vector<16xf32>
        %swap3A_464 = vector.shape_cast %mul3A_457 : vector<16xf32> to vector<1x1x16xf32>
        tpu.vector_store %arg6[%swap3A_459, %swap3A_460, %swap3A_461], %swap3A_464 {strides = array<i32>} : memref<2x800x64xf32, #tpu.memory_space<vmem>>, vector<1x1x16xf32>,
        %get3A_465 = arith.constant 0 : i32
        %get3A_466 = arith.index_cast %get3A_465 : i32 to index
        %get3A_467 = arith.index_cast %scan3A_432 : i32 to index
        %get3A_468 = arith.constant 32 : index
        %get3A_469 = tpu.vector_load %arg6[%get3A_466, %get3A_467, %get3A_468] {strides = array<i32>} : memref<2x800x64xf32, #tpu.memory_space<vmem>>, vector<1x1x16xf32>,
        %get3A_470 = vector.shape_cast %get3A_469 : vector<1x1x16xf32> to vector<16xf32>
        %mul3A_471 = arith.constant 8.000000e+00 : f32
        %mul3A_472 = vector.broadcast %mul3A_471 : f32 to vector<16xf32>
        %mul3A_473 = arith.mulf %get3A_470, %mul3A_472 : vector<16xf32>
        %swap3A_474 = arith.constant 0 : i32
        %swap3A_475 = arith.index_cast %swap3A_474 : i32 to index
        %swap3A_476 = arith.index_cast %scan3A_432 : i32 to index
        %swap3A_477 = arith.constant 32 : index
        %swap3A_478 = tpu.vector_load %arg6[%swap3A_475, %swap3A_476, %swap3A_477] {strides = array<i32>} : memref<2x800x64xf32, #tpu.memory_space<vmem>>, vector<1x1x16xf32>,
        %swap3A_479 = vector.shape_cast %swap3A_478 : vector<1x1x16xf32> to vector<16xf32>
        %swap3A_480 = vector.shape_cast %mul3A_473 : vector<16xf32> to vector<1x1x16xf32>
        tpu.vector_store %arg6[%swap3A_475, %swap3A_476, %swap3A_477], %swap3A_480 {strides = array<i32>} : memref<2x800x64xf32, #tpu.memory_space<vmem>>, vector<1x1x16xf32>,
        %get3A_481 = arith.constant 0 : i32
        %get3A_482 = arith.index_cast %get3A_481 : i32 to index
        %get3A_483 = arith.index_cast %scan3A_432 : i32 to index
        %get3A_484 = arith.constant 48 : index
        %get3A_485 = tpu.vector_load %arg6[%get3A_482, %get3A_483, %get3A_484] {strides = array<i32>} : memref<2x800x64xf32, #tpu.memory_space<vmem>>, vector<1x1x16xf32>,
        %get3A_486 = vector.shape_cast %get3A_485 : vector<1x1x16xf32> to vector<16xf32>
        %mul3A_487 = arith.constant 8.000000e+00 : f32
        %mul3A_488 = vector.broadcast %mul3A_487 : f32 to vector<16xf32>
        %mul3A_489 = arith.mulf %get3A_486, %mul3A_488 : vector<16xf32>
        %swap3A_490 = arith.constant 0 : i32
        %swap3A_491 = arith.index_cast %swap3A_490 : i32 to index
        %swap3A_492 = arith.index_cast %scan3A_432 : i32 to index
        %swap3A_493 = arith.constant 48 : index
        %swap3A_494 = tpu.vector_load %arg6[%swap3A_491, %swap3A_492, %swap3A_493] {strides = array<i32>} : memref<2x800x64xf32, #tpu.memory_space<vmem>>, vector<1x1x16xf32>,
        %swap3A_495 = vector.shape_cast %swap3A_494 : vector<1x1x16xf32> to vector<16xf32>
        %swap3A_496 = vector.shape_cast %mul3A_489 : vector<16xf32> to vector<1x1x16xf32>
        tpu.vector_store %arg6[%swap3A_491, %swap3A_492, %swap3A_493], %swap3A_496 {strides = array<i32>} : memref<2x800x64xf32, #tpu.memory_space<vmem>>, vector<1x1x16xf32>,
      }
      %scan3A_173 = arith.constant 800 : i32
      %mul3A_174 = arith.constant 800 : i32
      %mul3A_175 = arith.muli %add3A_148, %mul3A_174 : i32
      %add3A_176 = arith.addi %mul3A_4, %mul3A_175 : i32
      %dma_start3A_177 = arith.constant 0 : i32
      %dma_start3A_178 = arith.constant 0 : i32
      %dma_start3A_179 = arith.constant 0 : i32
      %dma_start3A_180 = tpu.memref_slice %arg6[%dma_start3A_177, %dma_start3A_178, %dma_start3A_179] : memref<2x800x64xf32, #tpu.memory_space<vmem>> -> memref<1x800x64xf32, #tpu.memory_space<vmem>>
      %dma_start3A_181 = tpu.memref_squeeze %dma_start3A_180 : memref<1x800x64xf32, #tpu.memory_space<vmem>> -> memref<800x64xf32, #tpu.memory_space<vmem>>
      %dma_start3A_182 = arith.constant 0 : i32
      %dma_start3A_183 = tpu.memref_slice %arg4[%add3A_176, %dma_start3A_182] : memref<819200x64xf32, #tpu.memory_space<hbm>> -> memref<800x64xf32, #tpu.memory_space<hbm>>
      %dma_start3A_184 = arith.constant 0 : i32
      %dma_start3A_185 = tpu.memref_slice %arg4[%add3A_176, %dma_start3A_184] : memref<819200x64xf32, #tpu.memory_space<hbm>> -> memref<800x64xf32, #tpu.memory_space<hbm>>
      %dma_start3A_186 = arith.constant 0 : i32
      %dma_start3A_187 = arith.constant 0 : i32
      %dma_start3A_188 = tpu.memref_slice %arg6[%dma_start3A_177, %dma_start3A_186, %dma_start3A_187] : memref<2x800x64xf32, #tpu.memory_space<vmem>> -> memref<1x800x64xf32, #tpu.memory_space<vmem>>
      %dma_start3A_189 = tpu.memref_squeeze %dma_start3A_188 : memref<1x800x64xf32, #tpu.memory_space<vmem>> -> memref<800x64xf32, #tpu.memory_space<vmem>>
      tpu.enqueue_dma source(%dma_start3A_189 : memref<800x64xf32, #tpu.memory_space<vmem>>) target(%dma_start3A_185 : memref<800x64xf32, #tpu.memory_space<hbm>>) target_semaphore(%arg9 : memref<!tpu.dma_semaphore, #tpu.memory_space<semaphore_mem>>)
      %add3A_190 = arith.constant 1 : i32
      %add3A_191 = arith.addi %mul3A_146, %add3A_190 : i32
      %add3A_192 = arith.constant 1 : i32
      %add3A_193 = arith.addi %add3A_191, %add3A_192 : i32
      %lt3A_194 = arith.constant 32 : i32
      %lt3A_195 = arith.cmpi slt, %add3A_193, %lt3A_194 : i32
      %convert_element_type3A_196 = arith.extui %lt3A_195 : i1 to i32
      %cond3A_197 = arith.constant 0 : i32
      %cond3A_198 = arith.cmpi ne, %convert_element_type3A_196, %cond3A_197 : i32
      scf.if %cond3A_198 {
        %ge3A = arith.constant 2 : i32
        %ge3A_236 = arith.cmpi sge, %add3A_193, %ge3A : i32
        %convert_element_type3A_237 = arith.extui %ge3A_236 : i1 to i32
        %cond3A_238 = arith.constant 0 : i32
        %cond3A_239 = arith.cmpi ne, %convert_element_type3A_237, %cond3A_238 : i32
        scf.if %cond3A_239 {
          %dma_wait3A_348 = arith.constant 0 : i32
          %dma_wait3A_349 = arith.constant 0 : i32
          %dma_wait3A_350 = arith.constant 0 : i32
          %dma_wait3A_351 = tpu.memref_slice %arg6[%dma_wait3A_348, %dma_wait3A_349, %dma_wait3A_350] : memref<2x800x64xf32, #tpu.memory_space<vmem>> -> memref<1x800x64xf32, #tpu.memory_space<vmem>>
          %dma_wait3A_352 = tpu.memref_squeeze %dma_wait3A_351 : memref<1x800x64xf32, #tpu.memory_space<vmem>> -> memref<800x64xf32, #tpu.memory_space<vmem>>
          %dma_wait3A_353 = arith.constant 0 : i32
          %dma_wait3A_354 = arith.constant 0 : i32
          %dma_wait3A_355 = tpu.memref_slice %arg4[%dma_wait3A_353, %dma_wait3A_354] : memref<819200x64xf32, #tpu.memory_space<hbm>> -> memref<800x64xf32, #tpu.memory_space<hbm>>
          %dma_wait3A_356 = arith.constant 0 : i32
          %dma_wait3A_357 = arith.constant 0 : i32
          %dma_wait3A_358 = tpu.memref_slice %arg4[%dma_wait3A_356, %dma_wait3A_357] : memref<819200x64xf32, #tpu.memory_space<hbm>> -> memref<800x64xf32, #tpu.memory_space<hbm>>
          %dma_wait3A_359 = arith.constant 0 : i32
          %dma_wait3A_360 = arith.constant 0 : i32
          %dma_wait3A_361 = tpu.memref_slice %arg6[%dma_wait3A_348, %dma_wait3A_359, %dma_wait3A_360] : memref<2x800x64xf32, #tpu.memory_space<vmem>> -> memref<1x800x64xf32, #tpu.memory_space<vmem>>
          %dma_wait3A_362 = tpu.memref_squeeze %dma_wait3A_361 : memref<1x800x64xf32, #tpu.memory_space<vmem>> -> memref<800x64xf32, #tpu.memory_space<vmem>>
          tpu.wait_dma2 semaphore(%arg9 : memref<!tpu.dma_semaphore, #tpu.memory_space<semaphore_mem>>) src(%dma_wait3A_362 : memref<800x64xf32, #tpu.memory_space<vmem>>) dst(%dma_wait3A_358 : memref<800x64xf32, #tpu.memory_space<hbm>>)
        } else {
        }
        %mul3A_240 = arith.constant 4 : i32
        %mul3A_241 = arith.muli %add3A_193, %mul3A_240 : i32
        %add3A_242 = arith.addi %mul3A_2, %mul3A_241 : i32
        %run_scoped3A_243 = arith.constant 0 : i32
        "tpu.region"() ({
          %run_scoped3A_348 = tpu.sem_alloc : memref<!tpu.dma_semaphore, #tpu.memory_space<semaphore_mem>>
          %dma_start3A_349 = arith.constant 0 : i32
          %dma_start3A_350 = arith.constant 0 : i32
          %dma_start3A_351 = tpu.memref_slice %arg5[%run_scoped3A_243, %dma_start3A_349, %dma_start3A_350] : memref<2x4x200xi32, #tpu.memory_space<vmem>> -> memref<1x4x200xi32, #tpu.memory_space<vmem>>
          %dma_start3A_352 = tpu.memref_squeeze %dma_start3A_351 : memref<1x4x200xi32, #tpu.memory_space<vmem>> -> memref<4x200xi32, #tpu.memory_space<vmem>>
          %dma_start3A_353 = arith.constant 0 : i32
          %dma_start3A_354 = tpu.memref_slice %arg2[%add3A_242, %dma_start3A_353] : memref<4096x200xi32, #tpu.memory_space<hbm>> -> memref<4x200xi32, #tpu.memory_space<hbm>>
          %dma_start3A_355 = arith.constant 0 : i32
          %dma_start3A_356 = arith.constant 0 : i32
          %dma_start3A_357 = tpu.memref_slice %arg5[%run_scoped3A_243, %dma_start3A_355, %dma_start3A_356] : memref<2x4x200xi32, #tpu.memory_space<vmem>> -> memref<1x4x200xi32, #tpu.memory_space<vmem>>
          %dma_start3A_358 = tpu.memref_squeeze %dma_start3A_357 : memref<1x4x200xi32, #tpu.memory_space<vmem>> -> memref<4x200xi32, #tpu.memory_space<vmem>>
          %dma_start3A_359 = arith.constant 0 : i32
          %dma_start3A_360 = tpu.memref_slice %arg2[%add3A_242, %dma_start3A_359] : memref<4096x200xi32, #tpu.memory_space<hbm>> -> memref<4x200xi32, #tpu.memory_space<hbm>>
          tpu.enqueue_dma source(%dma_start3A_360 : memref<4x200xi32, #tpu.memory_space<hbm>>) target(%dma_start3A_358 : memref<4x200xi32, #tpu.memory_space<vmem>>) target_semaphore(%run_scoped3A_348 : memref<!tpu.dma_semaphore, #tpu.memory_space<semaphore_mem>>)
          %dma_wait3A_361 = arith.constant 0 : i32
          %dma_wait3A_362 = arith.constant 0 : i32
          %dma_wait3A_363 = tpu.memref_slice %arg5[%run_scoped3A_243, %dma_wait3A_361, %dma_wait3A_362] : memref<2x4x200xi32, #tpu.memory_space<vmem>> -> memref<1x4x200xi32, #tpu.memory_space<vmem>>
          %dma_wait3A_364 = tpu.memref_squeeze %dma_wait3A_363 : memref<1x4x200xi32, #tpu.memory_space<vmem>> -> memref<4x200xi32, #tpu.memory_space<vmem>>
          %dma_wait3A_365 = arith.constant 0 : i32
          %dma_wait3A_366 = tpu.memref_slice %arg2[%add3A_242, %dma_wait3A_365] : memref<4096x200xi32, #tpu.memory_space<hbm>> -> memref<4x200xi32, #tpu.memory_space<hbm>>
          %dma_wait3A_367 = arith.constant 0 : i32
          %dma_wait3A_368 = arith.constant 0 : i32
          %dma_wait3A_369 = tpu.memref_slice %arg5[%run_scoped3A_243, %dma_wait3A_367, %dma_wait3A_368] : memref<2x4x200xi32, #tpu.memory_space<vmem>> -> memref<1x4x200xi32, #tpu.memory_space<vmem>>
          %dma_wait3A_370 = tpu.memref_squeeze %dma_wait3A_369 : memref<1x4x200xi32, #tpu.memory_space<vmem>> -> memref<4x200xi32, #tpu.memory_space<vmem>>
          %dma_wait3A_371 = arith.constant 0 : i32
          %dma_wait3A_372 = tpu.memref_slice %arg2[%add3A_242, %dma_wait3A_371] : memref<4096x200xi32, #tpu.memory_space<hbm>> -> memref<4x200xi32, #tpu.memory_space<hbm>>
          tpu.wait_dma2 semaphore(%run_scoped3A_348 : memref<!tpu.dma_semaphore, #tpu.memory_space<semaphore_mem>>) src(%dma_wait3A_372 : memref<4x200xi32, #tpu.memory_space<hbm>>) dst(%dma_wait3A_370 : memref<4x200xi32, #tpu.memory_space<vmem>>)
          tpu.yield
        }) : () -> ()
        %dma_start3A_244 = arith.constant 0 : i32
        %dma_start3A_245 = arith.constant 0 : i32
        %dma_start3A_246 = arith.constant 0 : i32
        %dma_start3A_247 = arith.constant 0 : i32
        %dma_start3A_248 = arith.constant 0 : i32
        %dma_start3A_249 = tpu.memref_slice %arg6[%dma_start3A_246, %dma_start3A_247, %dma_start3A_248] : memref<2x800x64xf32, #tpu.memory_space<vmem>> -> memref<1x128x64xf32, #tpu.memory_space<vmem>>
        %dma_start3A_250 = tpu.memref_squeeze %dma_start3A_249 : memref<1x128x64xf32, #tpu.memory_space<vmem>> -> memref<128x64xf32, #tpu.memory_space<vmem>>
        %dma_start3A_251 = arith.constant 0 : i32
        %dma_start3A_252 = tpu.memref_slice %arg5[%dma_start3A_244, %dma_start3A_245, %dma_start3A_251] : memref<2x4x200xi32, #tpu.memory_space<vmem>> -> memref<1x1x128xi32, #tpu.memory_space<vmem>>
        %dma_start3A_253 = tpu.memref_squeeze %dma_start3A_252 : memref<1x1x128xi32, #tpu.memory_space<vmem>> -> memref<128xi32, #tpu.memory_space<vmem>>
        %dma_start3A_254 = arith.constant 0 : i32
        %dma_start3A_255 = arith.constant 0 : i32
        %dma_start3A_256 = tpu.memref_slice %arg3[%dma_start3A_254, %dma_start3A_255] : memref<1000000x64xf32, #tpu.memory_space<hbm>> -> memref<1000000x64xf32, #tpu.memory_space<hbm>>
        tpu.enqueue_indirect_dma source(%dma_start3A_256 : memref<1000000x64xf32, #tpu.memory_space<hbm>>) target(%dma_start3A_250 : memref<128x64xf32, #tpu.memory_space<vmem>>) offsets(%dma_start3A_253 : memref<128xi32, #tpu.memory_space<vmem>>) semaphore(%arg7 : memref<!tpu.dma_semaphore, #tpu.memory_space<semaphore_mem>>)
        %dma_start3A_257 = arith.constant 0 : i32
        %dma_start3A_258 = arith.constant 0 : i32
        %dma_start3A_259 = arith.constant 0 : i32
        %dma_start3A_260 = arith.constant 128 : i32
        %dma_start3A_261 = arith.constant 0 : i32
        %dma_start3A_262 = tpu.memref_slice %arg6[%dma_start3A_259, %dma_start3A_260, %dma_start3A_261] : memref<2x800x64xf32, #tpu.memory_space<vmem>> -> memref<1x72x64xf32, #tpu.memory_space<vmem>>
        %dma_start3A_263 = tpu.memref_squeeze %dma_start3A_262 : memref<1x72x64xf32, #tpu.memory_space<vmem>> -> memref<72x64xf32, #tpu.memory_space<vmem>>
        %dma_start3A_264 = arith.constant 128 : i32
        %dma_start3A_265 = tpu.memref_slice %arg5[%dma_start3A_257, %dma_start3A_258, %dma_start3A_264] : memref<2x4x200xi32, #tpu.memory_space<vmem>> -> memref<1x1x72xi32, #tpu.memory_space<vmem>>
        %dma_start3A_266 = tpu.memref_squeeze %dma_start3A_265 : memref<1x1x72xi32, #tpu.memory_space<vmem>> -> memref<72xi32, #tpu.memory_space<vmem>>
        %dma_start3A_267 = arith.constant 0 : i32
        %dma_start3A_268 = arith.constant 0 : i32
        %dma_start3A_269 = tpu.memref_slice %arg3[%dma_start3A_267, %dma_start3A_268] : memref<1000000x64xf32, #tpu.memory_space<hbm>> -> memref<1000000x64xf32, #tpu.memory_space<hbm>>
        tpu.enqueue_indirect_dma source(%dma_start3A_269 : memref<1000000x64xf32, #tpu.memory_space<hbm>>) target(%dma_start3A_263 : memref<72x64xf32, #tpu.memory_space<vmem>>) offsets(%dma_start3A_266 : memref<72xi32, #tpu.memory_space<vmem>>) semaphore(%arg7 : memref<!tpu.dma_semaphore, #tpu.memory_space<semaphore_mem>>)
        %dma_start3A_270 = arith.constant 0 : i32
        %dma_start3A_271 = arith.constant 1 : i32
        %dma_start3A_272 = arith.constant 0 : i32
        %dma_start3A_273 = arith.constant 200 : i32
        %dma_start3A_274 = arith.constant 0 : i32
        %dma_start3A_275 = tpu.memref_slice %arg6[%dma_start3A_272, %dma_start3A_273, %dma_start3A_274] : memref<2x800x64xf32, #tpu.memory_space<vmem>> -> memref<1x128x64xf32, #tpu.memory_space<vmem>>
        %dma_start3A_276 = tpu.memref_squeeze %dma_start3A_275 : memref<1x128x64xf32, #tpu.memory_space<vmem>> -> memref<128x64xf32, #tpu.memory_space<vmem>>
        %dma_start3A_277 = arith.constant 0 : i32
        %dma_start3A_278 = tpu.memref_slice %arg5[%dma_start3A_270, %dma_start3A_271, %dma_start3A_277] : memref<2x4x200xi32, #tpu.memory_space<vmem>> -> memref<1x1x128xi32, #tpu.memory_space<vmem>>
        %dma_start3A_279 = tpu.memref_squeeze %dma_start3A_278 : memref<1x1x128xi32, #tpu.memory_space<vmem>> -> memref<128xi32, #tpu.memory_space<vmem>>
        %dma_start3A_280 = arith.constant 0 : i32
        %dma_start3A_281 = arith.constant 0 : i32
        %dma_start3A_282 = tpu.memref_slice %arg3[%dma_start3A_280, %dma_start3A_281] : memref<1000000x64xf32, #tpu.memory_space<hbm>> -> memref<1000000x64xf32, #tpu.memory_space<hbm>>
        tpu.enqueue_indirect_dma source(%dma_start3A_282 : memref<1000000x64xf32, #tpu.memory_space<hbm>>) target(%dma_start3A_276 : memref<128x64xf32, #tpu.memory_space<vmem>>) offsets(%dma_start3A_279 : memref<128xi32, #tpu.memory_space<vmem>>) semaphore(%arg7 : memref<!tpu.dma_semaphore, #tpu.memory_space<semaphore_mem>>)
        %dma_start3A_283 = arith.constant 0 : i32
        %dma_start3A_284 = arith.constant 1 : i32
        %dma_start3A_285 = arith.constant 0 : i32
        %dma_start3A_286 = arith.constant 328 : i32
        %dma_start3A_287 = arith.constant 0 : i32
        %dma_start3A_288 = tpu.memref_slice %arg6[%dma_start3A_285, %dma_start3A_286, %dma_start3A_287] : memref<2x800x64xf32, #tpu.memory_space<vmem>> -> memref<1x72x64xf32, #tpu.memory_space<vmem>>
        %dma_start3A_289 = tpu.memref_squeeze %dma_start3A_288 : memref<1x72x64xf32, #tpu.memory_space<vmem>> -> memref<72x64xf32, #tpu.memory_space<vmem>>
        %dma_start3A_290 = arith.constant 128 : i32
        %dma_start3A_291 = tpu.memref_slice %arg5[%dma_start3A_283, %dma_start3A_284, %dma_start3A_290] : memref<2x4x200xi32, #tpu.memory_space<vmem>> -> memref<1x1x72xi32, #tpu.memory_space<vmem>>
        %dma_start3A_292 = tpu.memref_squeeze %dma_start3A_291 : memref<1x1x72xi32, #tpu.memory_space<vmem>> -> memref<72xi32, #tpu.memory_space<vmem>>
        %dma_start3A_293 = arith.constant 0 : i32
        %dma_start3A_294 = arith.constant 0 : i32
        %dma_start3A_295 = tpu.memref_slice %arg3[%dma_start3A_293, %dma_start3A_294] : memref<1000000x64xf32, #tpu.memory_space<hbm>> -> memref<1000000x64xf32, #tpu.memory_space<hbm>>
        tpu.enqueue_indirect_dma source(%dma_start3A_295 : memref<1000000x64xf32, #tpu.memory_space<hbm>>) target(%dma_start3A_289 : memref<72x64xf32, #tpu.memory_space<vmem>>) offsets(%dma_start3A_292 : memref<72xi32, #tpu.memory_space<vmem>>) semaphore(%arg7 : memref<!tpu.dma_semaphore, #tpu.memory_space<semaphore_mem>>)
        %dma_start3A_296 = arith.constant 0 : i32
        %dma_start3A_297 = arith.constant 2 : i32
        %dma_start3A_298 = arith.constant 0 : i32
        %dma_start3A_299 = arith.constant 400 : i32
        %dma_start3A_300 = arith.constant 0 : i32
        %dma_start3A_301 = tpu.memref_slice %arg6[%dma_start3A_298, %dma_start3A_299, %dma_start3A_300] : memref<2x800x64xf32, #tpu.memory_space<vmem>> -> memref<1x128x64xf32, #tpu.memory_space<vmem>>
        %dma_start3A_302 = tpu.memref_squeeze %dma_start3A_301 : memref<1x128x64xf32, #tpu.memory_space<vmem>> -> memref<128x64xf32, #tpu.memory_space<vmem>>
        %dma_start3A_303 = arith.constant 0 : i32
        %dma_start3A_304 = tpu.memref_slice %arg5[%dma_start3A_296, %dma_start3A_297, %dma_start3A_303] : memref<2x4x200xi32, #tpu.memory_space<vmem>> -> memref<1x1x128xi32, #tpu.memory_space<vmem>>
        %dma_start3A_305 = tpu.memref_squeeze %dma_start3A_304 : memref<1x1x128xi32, #tpu.memory_space<vmem>> -> memref<128xi32, #tpu.memory_space<vmem>>
        %dma_start3A_306 = arith.constant 0 : i32
        %dma_start3A_307 = arith.constant 0 : i32
        %dma_start3A_308 = tpu.memref_slice %arg3[%dma_start3A_306, %dma_start3A_307] : memref<1000000x64xf32, #tpu.memory_space<hbm>> -> memref<1000000x64xf32, #tpu.memory_space<hbm>>
        tpu.enqueue_indirect_dma source(%dma_start3A_308 : memref<1000000x64xf32, #tpu.memory_space<hbm>>) target(%dma_start3A_302 : memref<128x64xf32, #tpu.memory_space<vmem>>) offsets(%dma_start3A_305 : memref<128xi32, #tpu.memory_space<vmem>>) semaphore(%arg7 : memref<!tpu.dma_semaphore, #tpu.memory_space<semaphore_mem>>)
        %dma_start3A_309 = arith.constant 0 : i32
        %dma_start3A_310 = arith.constant 2 : i32
        %dma_start3A_311 = arith.constant 0 : i32
        %dma_start3A_312 = arith.constant 528 : i32
        %dma_start3A_313 = arith.constant 0 : i32
        %dma_start3A_314 = tpu.memref_slice %arg6[%dma_start3A_311, %dma_start3A_312, %dma_start3A_313] : memref<2x800x64xf32, #tpu.memory_space<vmem>> -> memref<1x72x64xf32, #tpu.memory_space<vmem>>
        %dma_start3A_315 = tpu.memref_squeeze %dma_start3A_314 : memref<1x72x64xf32, #tpu.memory_space<vmem>> -> memref<72x64xf32, #tpu.memory_space<vmem>>
        %dma_start3A_316 = arith.constant 128 : i32
        %dma_start3A_317 = tpu.memref_slice %arg5[%dma_start3A_309, %dma_start3A_310, %dma_start3A_316] : memref<2x4x200xi32, #tpu.memory_space<vmem>> -> memref<1x1x72xi32, #tpu.memory_space<vmem>>
        %dma_start3A_318 = tpu.memref_squeeze %dma_start3A_317 : memref<1x1x72xi32, #tpu.memory_space<vmem>> -> memref<72xi32, #tpu.memory_space<vmem>>
        %dma_start3A_319 = arith.constant 0 : i32
        %dma_start3A_320 = arith.constant 0 : i32
        %dma_start3A_321 = tpu.memref_slice %arg3[%dma_start3A_319, %dma_start3A_320] : memref<1000000x64xf32, #tpu.memory_space<hbm>> -> memref<1000000x64xf32, #tpu.memory_space<hbm>>
        tpu.enqueue_indirect_dma source(%dma_start3A_321 : memref<1000000x64xf32, #tpu.memory_space<hbm>>) target(%dma_start3A_315 : memref<72x64xf32, #tpu.memory_space<vmem>>) offsets(%dma_start3A_318 : memref<72xi32, #tpu.memory_space<vmem>>) semaphore(%arg7 : memref<!tpu.dma_semaphore, #tpu.memory_space<semaphore_mem>>)
        %dma_start3A_322 = arith.constant 0 : i32
        %dma_start3A_323 = arith.constant 3 : i32
        %dma_start3A_324 = arith.constant 0 : i32
        %dma_start3A_325 = arith.constant 600 : i32
        %dma_start3A_326 = arith.constant 0 : i32
        %dma_start3A_327 = tpu.memref_slice %arg6[%dma_start3A_324, %dma_start3A_325, %dma_start3A_326] : memref<2x800x64xf32, #tpu.memory_space<vmem>> -> memref<1x128x64xf32, #tpu.memory_space<vmem>>
        %dma_start3A_328 = tpu.memref_squeeze %dma_start3A_327 : memref<1x128x64xf32, #tpu.memory_space<vmem>> -> memref<128x64xf32, #tpu.memory_space<vmem>>
        %dma_start3A_329 = arith.constant 0 : i32
        %dma_start3A_330 = tpu.memref_slice %arg5[%dma_start3A_322, %dma_start3A_323, %dma_start3A_329] : memref<2x4x200xi32, #tpu.memory_space<vmem>> -> memref<1x1x128xi32, #tpu.memory_space<vmem>>
        %dma_start3A_331 = tpu.memref_squeeze %dma_start3A_330 : memref<1x1x128xi32, #tpu.memory_space<vmem>> -> memref<128xi32, #tpu.memory_space<vmem>>
        %dma_start3A_332 = arith.constant 0 : i32
        %dma_start3A_333 = arith.constant 0 : i32
        %dma_start3A_334 = tpu.memref_slice %arg3[%dma_start3A_332, %dma_start3A_333] : memref<1000000x64xf32, #tpu.memory_space<hbm>> -> memref<1000000x64xf32, #tpu.memory_space<hbm>>
        tpu.enqueue_indirect_dma source(%dma_start3A_334 : memref<1000000x64xf32, #tpu.memory_space<hbm>>) target(%dma_start3A_328 : memref<128x64xf32, #tpu.memory_space<vmem>>) offsets(%dma_start3A_331 : memref<128xi32, #tpu.memory_space<vmem>>) semaphore(%arg7 : memref<!tpu.dma_semaphore, #tpu.memory_space<semaphore_mem>>)
        %dma_start3A_335 = arith.constant 0 : i32
        %dma_start3A_336 = arith.constant 3 : i32
        %dma_start3A_337 = arith.constant 0 : i32
        %dma_start3A_338 = arith.constant 728 : i32
        %dma_start3A_339 = arith.constant 0 : i32
        %dma_start3A_340 = tpu.memref_slice %arg6[%dma_start3A_337, %dma_start3A_338, %dma_start3A_339] : memref<2x800x64xf32, #tpu.memory_space<vmem>> -> memref<1x72x64xf32, #tpu.memory_space<vmem>>
        %dma_start3A_341 = tpu.memref_squeeze %dma_start3A_340 : memref<1x72x64xf32, #tpu.memory_space<vmem>> -> memref<72x64xf32, #tpu.memory_space<vmem>>
        %dma_start3A_342 = arith.constant 128 : i32
        %dma_start3A_343 = tpu.memref_slice %arg5[%dma_start3A_335, %dma_start3A_336, %dma_start3A_342] : memref<2x4x200xi32, #tpu.memory_space<vmem>> -> memref<1x1x72xi32, #tpu.memory_space<vmem>>
        %dma_start3A_344 = tpu.memref_squeeze %dma_start3A_343 : memref<1x1x72xi32, #tpu.memory_space<vmem>> -> memref<72xi32, #tpu.memory_space<vmem>>
        %dma_start3A_345 = arith.constant 0 : i32
        %dma_start3A_346 = arith.constant 0 : i32
        %dma_start3A_347 = tpu.memref_slice %arg3[%dma_start3A_345, %dma_start3A_346] : memref<1000000x64xf32, #tpu.memory_space<hbm>> -> memref<1000000x64xf32, #tpu.memory_space<hbm>>
        tpu.enqueue_indirect_dma source(%dma_start3A_347 : memref<1000000x64xf32, #tpu.memory_space<hbm>>) target(%dma_start3A_341 : memref<72x64xf32, #tpu.memory_space<vmem>>) offsets(%dma_start3A_344 : memref<72xi32, #tpu.memory_space<vmem>>) semaphore(%arg7 : memref<!tpu.dma_semaphore, #tpu.memory_space<semaphore_mem>>)
      } else {
      }
      %dma_wait3A_199 = arith.constant 1 : i32
      %dma_wait3A_200 = arith.constant 0 : i32
      %dma_wait3A_201 = arith.constant 0 : i32
      %dma_wait3A_202 = tpu.memref_slice %arg6[%dma_wait3A_199, %dma_wait3A_200, %dma_wait3A_201] : memref<2x800x64xf32, #tpu.memory_space<vmem>> -> memref<1x800x64xf32, #tpu.memory_space<vmem>>
      %dma_wait3A_203 = tpu.memref_squeeze %dma_wait3A_202 : memref<1x800x64xf32, #tpu.memory_space<vmem>> -> memref<800x64xf32, #tpu.memory_space<vmem>>
      %dma_wait3A_204 = arith.constant 0 : i32
      %dma_wait3A_205 = arith.constant 0 : i32
      %dma_wait3A_206 = tpu.memref_slice %arg3[%dma_wait3A_204, %dma_wait3A_205] : memref<1000000x64xf32, #tpu.memory_space<hbm>> -> memref<800x64xf32, #tpu.memory_space<hbm>>
      %dma_wait3A_207 = arith.constant 0 : i32
      %dma_wait3A_208 = arith.constant 0 : i32
      %dma_wait3A_209 = tpu.memref_slice %arg6[%dma_wait3A_199, %dma_wait3A_207, %dma_wait3A_208] : memref<2x800x64xf32, #tpu.memory_space<vmem>> -> memref<1x800x64xf32, #tpu.memory_space<vmem>>
      %dma_wait3A_210 = tpu.memref_squeeze %dma_wait3A_209 : memref<1x800x64xf32, #tpu.memory_space<vmem>> -> memref<800x64xf32, #tpu.memory_space<vmem>>
      %dma_wait3A_211 = arith.constant 0 : i32
      %dma_wait3A_212 = arith.constant 0 : i32
      %dma_wait3A_213 = tpu.memref_slice %arg3[%dma_wait3A_211, %dma_wait3A_212] : memref<1000000x64xf32, #tpu.memory_space<hbm>> -> memref<800x64xf32, #tpu.memory_space<hbm>>
      tpu.wait_dma2 semaphore(%arg8 : memref<!tpu.dma_semaphore, #tpu.memory_space<semaphore_mem>>) src(%dma_wait3A_213 : memref<800x64xf32, #tpu.memory_space<hbm>>) dst(%dma_wait3A_210 : memref<800x64xf32, #tpu.memory_space<vmem>>)
      %scan3A_214 = arith.constant 0 : i32
      %scan3A_215 = arith.constant 0 : i32
      %scan3A_216 = arith.constant 800 : i32
      %scan3A_217 = arith.addi %scan3A_215, %scan3A_216 : i32
      %scan3A_218 = arith.constant 4 : i32
      scf.for %scan3A_236 = %scan3A_215 to %scan3A_217 step %scan3A_218  : i32 {
        %get3A = arith.constant 1 : i32
        %get3A_237 = arith.index_cast %get3A : i32 to index
        %get3A_238 = arith.index_cast %scan3A_236 : i32 to index
        %get3A_239 = arith.constant 0 : index
        %get3A_240 = tpu.vector_load %arg6[%get3A_237, %get3A_238, %get3A_239] {strides = array<i32>} : memref<2x800x64xf32, #tpu.memory_space<vmem>>, vector<1x1x16xf32>,
        %get3A_241 = vector.shape_cast %get3A_240 : vector<1x1x16xf32> to vector<16xf32>
        %mul3A_242 = arith.constant 8.000000e+00 : f32
        %mul3A_243 = vector.broadcast %mul3A_242 : f32 to vector<16xf32>
        %mul3A_244 = arith.mulf %get3A_241, %mul3A_243 : vector<16xf32>
        %swap3A = arith.constant 1 : i32
        %swap3A_245 = arith.index_cast %swap3A : i32 to index
        %swap3A_246 = arith.index_cast %scan3A_236 : i32 to index
        %swap3A_247 = arith.constant 0 : index
        %swap3A_248 = tpu.vector_load %arg6[%swap3A_245, %swap3A_246, %swap3A_247] {strides = array<i32>} : memref<2x800x64xf32, #tpu.memory_space<vmem>>, vector<1x1x16xf32>,
        %swap3A_249 = vector.shape_cast %swap3A_248 : vector<1x1x16xf32> to vector<16xf32>
        %swap3A_250 = vector.shape_cast %mul3A_244 : vector<16xf32> to vector<1x1x16xf32>
        tpu.vector_store %arg6[%swap3A_245, %swap3A_246, %swap3A_247], %swap3A_250 {strides = array<i32>} : memref<2x800x64xf32, #tpu.memory_space<vmem>>, vector<1x1x16xf32>,
        %get3A_251 = arith.constant 1 : i32
        %get3A_252 = arith.index_cast %get3A_251 : i32 to index
        %get3A_253 = arith.index_cast %scan3A_236 : i32 to index
        %get3A_254 = arith.constant 16 : index
        %get3A_255 = tpu.vector_load %arg6[%get3A_252, %get3A_253, %get3A_254] {strides = array<i32>} : memref<2x800x64xf32, #tpu.memory_space<vmem>>, vector<1x1x16xf32>,
        %get3A_256 = vector.shape_cast %get3A_255 : vector<1x1x16xf32> to vector<16xf32>
        %mul3A_257 = arith.constant 8.000000e+00 : f32
        %mul3A_258 = vector.broadcast %mul3A_257 : f32 to vector<16xf32>
        %mul3A_259 = arith.mulf %get3A_256, %mul3A_258 : vector<16xf32>
        %swap3A_260 = arith.constant 1 : i32
        %swap3A_261 = arith.index_cast %swap3A_260 : i32 to index
        %swap3A_262 = arith.index_cast %scan3A_236 : i32 to index
        %swap3A_263 = arith.constant 16 : index
        %swap3A_264 = tpu.vector_load %arg6[%swap3A_261, %swap3A_262, %swap3A_263] {strides = array<i32>} : memref<2x800x64xf32, #tpu.memory_space<vmem>>, vector<1x1x16xf32>,
        %swap3A_265 = vector.shape_cast %swap3A_264 : vector<1x1x16xf32> to vector<16xf32>
        %swap3A_266 = vector.shape_cast %mul3A_259 : vector<16xf32> to vector<1x1x16xf32>
        tpu.vector_store %arg6[%swap3A_261, %swap3A_262, %swap3A_263], %swap3A_266 {strides = array<i32>} : memref<2x800x64xf32, #tpu.memory_space<vmem>>, vector<1x1x16xf32>,
        %get3A_267 = arith.constant 1 : i32
        %get3A_268 = arith.index_cast %get3A_267 : i32 to index
        %get3A_269 = arith.index_cast %scan3A_236 : i32 to index
        %get3A_270 = arith.constant 32 : index
        %get3A_271 = tpu.vector_load %arg6[%get3A_268, %get3A_269, %get3A_270] {strides = array<i32>} : memref<2x800x64xf32, #tpu.memory_space<vmem>>, vector<1x1x16xf32>,
        %get3A_272 = vector.shape_cast %get3A_271 : vector<1x1x16xf32> to vector<16xf32>
        %mul3A_273 = arith.constant 8.000000e+00 : f32
        %mul3A_274 = vector.broadcast %mul3A_273 : f32 to vector<16xf32>
        %mul3A_275 = arith.mulf %get3A_272, %mul3A_274 : vector<16xf32>
        %swap3A_276 = arith.constant 1 : i32
        %swap3A_277 = arith.index_cast %swap3A_276 : i32 to index
        %swap3A_278 = arith.index_cast %scan3A_236 : i32 to index
        %swap3A_279 = arith.constant 32 : index
        %swap3A_280 = tpu.vector_load %arg6[%swap3A_277, %swap3A_278, %swap3A_279] {strides = array<i32>} : memref<2x800x64xf32, #tpu.memory_space<vmem>>, vector<1x1x16xf32>,
        %swap3A_281 = vector.shape_cast %swap3A_280 : vector<1x1x16xf32> to vector<16xf32>
        %swap3A_282 = vector.shape_cast %mul3A_275 : vector<16xf32> to vector<1x1x16xf32>
        tpu.vector_store %arg6[%swap3A_277, %swap3A_278, %swap3A_279], %swap3A_282 {strides = array<i32>} : memref<2x800x64xf32, #tpu.memory_space<vmem>>, vector<1x1x16xf32>,
        %get3A_283 = arith.constant 1 : i32
        %get3A_284 = arith.index_cast %get3A_283 : i32 to index
        %get3A_285 = arith.index_cast %scan3A_236 : i32 to index
        %get3A_286 = arith.constant 48 : index
        %get3A_287 = tpu.vector_load %arg6[%get3A_284, %get3A_285, %get3A_286] {strides = array<i32>} : memref<2x800x64xf32, #tpu.memory_space<vmem>>, vector<1x1x16xf32>,
        %get3A_288 = vector.shape_cast %get3A_287 : vector<1x1x16xf32> to vector<16xf32>
        %mul3A_289 = arith.constant 8.000000e+00 : f32
        %mul3A_290 = vector.broadcast %mul3A_289 : f32 to vector<16xf32>
        %mul3A_291 = arith.mulf %get3A_288, %mul3A_290 : vector<16xf32>
        %swap3A_292 = arith.constant 1 : i32
        %swap3A_293 = arith.index_cast %swap3A_292 : i32 to index
        %swap3A_294 = arith.index_cast %scan3A_236 : i32 to index
        %swap3A_295 = arith.constant 48 : index
        %swap3A_296 = tpu.vector_load %arg6[%swap3A_293, %swap3A_294, %swap3A_295] {strides = array<i32>} : memref<2x800x64xf32, #tpu.memory_space<vmem>>, vector<1x1x16xf32>,
        %swap3A_297 = vector.shape_cast %swap3A_296 : vector<1x1x16xf32> to vector<16xf32>
        %swap3A_298 = vector.shape_cast %mul3A_291 : vector<16xf32> to vector<1x1x16xf32>
        tpu.vector_store %arg6[%swap3A_293, %swap3A_294, %swap3A_295], %swap3A_298 {strides = array<i32>} : memref<2x800x64xf32, #tpu.memory_space<vmem>>, vector<1x1x16xf32>,
        %scan3A_299 = arith.constant 1 : i32
        %scan3A_300 = arith.addi %scan3A_236, %scan3A_299 : i32
        %get3A_301 = arith.constant 1 : i32
        %get3A_302 = arith.index_cast %get3A_301 : i32 to index
        %get3A_303 = arith.index_cast %scan3A_300 : i32 to index
        %get3A_304 = arith.constant 0 : index
        %get3A_305 = tpu.vector_load %arg6[%get3A_302, %get3A_303, %get3A_304] {strides = array<i32>} : memref<2x800x64xf32, #tpu.memory_space<vmem>>, vector<1x1x16xf32>,
        %get3A_306 = vector.shape_cast %get3A_305 : vector<1x1x16xf32> to vector<16xf32>
        %mul3A_307 = arith.constant 8.000000e+00 : f32
        %mul3A_308 = vector.broadcast %mul3A_307 : f32 to vector<16xf32>
        %mul3A_309 = arith.mulf %get3A_306, %mul3A_308 : vector<16xf32>
        %swap3A_310 = arith.constant 1 : i32
        %swap3A_311 = arith.index_cast %swap3A_310 : i32 to index
        %swap3A_312 = arith.index_cast %scan3A_300 : i32 to index
        %swap3A_313 = arith.constant 0 : index
        %swap3A_314 = tpu.vector_load %arg6[%swap3A_311, %swap3A_312, %swap3A_313] {strides = array<i32>} : memref<2x800x64xf32, #tpu.memory_space<vmem>>, vector<1x1x16xf32>,
        %swap3A_315 = vector.shape_cast %swap3A_314 : vector<1x1x16xf32> to vector<16xf32>
        %swap3A_316 = vector.shape_cast %mul3A_309 : vector<16xf32> to vector<1x1x16xf32>
        tpu.vector_store %arg6[%swap3A_311, %swap3A_312, %swap3A_313], %swap3A_316 {strides = array<i32>} : memref<2x800x64xf32, #tpu.memory_space<vmem>>, vector<1x1x16xf32>,
        %get3A_317 = arith.constant 1 : i32
        %get3A_318 = arith.index_cast %get3A_317 : i32 to index
        %get3A_319 = arith.index_cast %scan3A_300 : i32 to index
        %get3A_320 = arith.constant 16 : index
        %get3A_321 = tpu.vector_load %arg6[%get3A_318, %get3A_319, %get3A_320] {strides = array<i32>} : memref<2x800x64xf32, #tpu.memory_space<vmem>>, vector<1x1x16xf32>,
        %get3A_322 = vector.shape_cast %get3A_321 : vector<1x1x16xf32> to vector<16xf32>
        %mul3A_323 = arith.constant 8.000000e+00 : f32
        %mul3A_324 = vector.broadcast %mul3A_323 : f32 to vector<16xf32>
        %mul3A_325 = arith.mulf %get3A_322, %mul3A_324 : vector<16xf32>
        %swap3A_326 = arith.constant 1 : i32
        %swap3A_327 = arith.index_cast %swap3A_326 : i32 to index
        %swap3A_328 = arith.index_cast %scan3A_300 : i32 to index
        %swap3A_329 = arith.constant 16 : index
        %swap3A_330 = tpu.vector_load %arg6[%swap3A_327, %swap3A_328, %swap3A_329] {strides = array<i32>} : memref<2x800x64xf32, #tpu.memory_space<vmem>>, vector<1x1x16xf32>,
        %swap3A_331 = vector.shape_cast %swap3A_330 : vector<1x1x16xf32> to vector<16xf32>
        %swap3A_332 = vector.shape_cast %mul3A_325 : vector<16xf32> to vector<1x1x16xf32>
        tpu.vector_store %arg6[%swap3A_327, %swap3A_328, %swap3A_329], %swap3A_332 {strides = array<i32>} : memref<2x800x64xf32, #tpu.memory_space<vmem>>, vector<1x1x16xf32>,
        %get3A_333 = arith.constant 1 : i32
        %get3A_334 = arith.index_cast %get3A_333 : i32 to index
        %get3A_335 = arith.index_cast %scan3A_300 : i32 to index
        %get3A_336 = arith.constant 32 : index
        %get3A_337 = tpu.vector_load %arg6[%get3A_334, %get3A_335, %get3A_336] {strides = array<i32>} : memref<2x800x64xf32, #tpu.memory_space<vmem>>, vector<1x1x16xf32>,
        %get3A_338 = vector.shape_cast %get3A_337 : vector<1x1x16xf32> to vector<16xf32>
        %mul3A_339 = arith.constant 8.000000e+00 : f32
        %mul3A_340 = vector.broadcast %mul3A_339 : f32 to vector<16xf32>
        %mul3A_341 = arith.mulf %get3A_338, %mul3A_340 : vector<16xf32>
        %swap3A_342 = arith.constant 1 : i32
        %swap3A_343 = arith.index_cast %swap3A_342 : i32 to index
        %swap3A_344 = arith.index_cast %scan3A_300 : i32 to index
        %swap3A_345 = arith.constant 32 : index
        %swap3A_346 = tpu.vector_load %arg6[%swap3A_343, %swap3A_344, %swap3A_345] {strides = array<i32>} : memref<2x800x64xf32, #tpu.memory_space<vmem>>, vector<1x1x16xf32>,
        %swap3A_347 = vector.shape_cast %swap3A_346 : vector<1x1x16xf32> to vector<16xf32>
        %swap3A_348 = vector.shape_cast %mul3A_341 : vector<16xf32> to vector<1x1x16xf32>
        tpu.vector_store %arg6[%swap3A_343, %swap3A_344, %swap3A_345], %swap3A_348 {strides = array<i32>} : memref<2x800x64xf32, #tpu.memory_space<vmem>>, vector<1x1x16xf32>,
        %get3A_349 = arith.constant 1 : i32
        %get3A_350 = arith.index_cast %get3A_349 : i32 to index
        %get3A_351 = arith.index_cast %scan3A_300 : i32 to index
        %get3A_352 = arith.constant 48 : index
        %get3A_353 = tpu.vector_load %arg6[%get3A_350, %get3A_351, %get3A_352] {strides = array<i32>} : memref<2x800x64xf32, #tpu.memory_space<vmem>>, vector<1x1x16xf32>,
        %get3A_354 = vector.shape_cast %get3A_353 : vector<1x1x16xf32> to vector<16xf32>
        %mul3A_355 = arith.constant 8.000000e+00 : f32
        %mul3A_356 = vector.broadcast %mul3A_355 : f32 to vector<16xf32>
        %mul3A_357 = arith.mulf %get3A_354, %mul3A_356 : vector<16xf32>
        %swap3A_358 = arith.constant 1 : i32
        %swap3A_359 = arith.index_cast %swap3A_358 : i32 to index
        %swap3A_360 = arith.index_cast %scan3A_300 : i32 to index
        %swap3A_361 = arith.constant 48 : index
        %swap3A_362 = tpu.vector_load %arg6[%swap3A_359, %swap3A_360, %swap3A_361] {strides = array<i32>} : memref<2x800x64xf32, #tpu.memory_space<vmem>>, vector<1x1x16xf32>,
        %swap3A_363 = vector.shape_cast %swap3A_362 : vector<1x1x16xf32> to vector<16xf32>
        %swap3A_364 = vector.shape_cast %mul3A_357 : vector<16xf32> to vector<1x1x16xf32>
        tpu.vector_store %arg6[%swap3A_359, %swap3A_360, %swap3A_361], %swap3A_364 {strides = array<i32>} : memref<2x800x64xf32, #tpu.memory_space<vmem>>, vector<1x1x16xf32>,
        %scan3A_365 = arith.constant 2 : i32
        %scan3A_366 = arith.addi %scan3A_236, %scan3A_365 : i32
        %get3A_367 = arith.constant 1 : i32
        %get3A_368 = arith.index_cast %get3A_367 : i32 to index
        %get3A_369 = arith.index_cast %scan3A_366 : i32 to index
        %get3A_370 = arith.constant 0 : index
        %get3A_371 = tpu.vector_load %arg6[%get3A_368, %get3A_369, %get3A_370] {strides = array<i32>} : memref<2x800x64xf32, #tpu.memory_space<vmem>>, vector<1x1x16xf32>,
        %get3A_372 = vector.shape_cast %get3A_371 : vector<1x1x16xf32> to vector<16xf32>
        %mul3A_373 = arith.constant 8.000000e+00 : f32
        %mul3A_374 = vector.broadcast %mul3A_373 : f32 to vector<16xf32>
        %mul3A_375 = arith.mulf %get3A_372, %mul3A_374 : vector<16xf32>
        %swap3A_376 = arith.constant 1 : i32
        %swap3A_377 = arith.index_cast %swap3A_376 : i32 to index
        %swap3A_378 = arith.index_cast %scan3A_366 : i32 to index
        %swap3A_379 = arith.constant 0 : index
        %swap3A_380 = tpu.vector_load %arg6[%swap3A_377, %swap3A_378, %swap3A_379] {strides = array<i32>} : memref<2x800x64xf32, #tpu.memory_space<vmem>>, vector<1x1x16xf32>,
        %swap3A_381 = vector.shape_cast %swap3A_380 : vector<1x1x16xf32> to vector<16xf32>
        %swap3A_382 = vector.shape_cast %mul3A_375 : vector<16xf32> to vector<1x1x16xf32>
        tpu.vector_store %arg6[%swap3A_377, %swap3A_378, %swap3A_379], %swap3A_382 {strides = array<i32>} : memref<2x800x64xf32, #tpu.memory_space<vmem>>, vector<1x1x16xf32>,
        %get3A_383 = arith.constant 1 : i32
        %get3A_384 = arith.index_cast %get3A_383 : i32 to index
        %get3A_385 = arith.index_cast %scan3A_366 : i32 to index
        %get3A_386 = arith.constant 16 : index
        %get3A_387 = tpu.vector_load %arg6[%get3A_384, %get3A_385, %get3A_386] {strides = array<i32>} : memref<2x800x64xf32, #tpu.memory_space<vmem>>, vector<1x1x16xf32>,
        %get3A_388 = vector.shape_cast %get3A_387 : vector<1x1x16xf32> to vector<16xf32>
        %mul3A_389 = arith.constant 8.000000e+00 : f32
        %mul3A_390 = vector.broadcast %mul3A_389 : f32 to vector<16xf32>
        %mul3A_391 = arith.mulf %get3A_388, %mul3A_390 : vector<16xf32>
        %swap3A_392 = arith.constant 1 : i32
        %swap3A_393 = arith.index_cast %swap3A_392 : i32 to index
        %swap3A_394 = arith.index_cast %scan3A_366 : i32 to index
        %swap3A_395 = arith.constant 16 : index
        %swap3A_396 = tpu.vector_load %arg6[%swap3A_393, %swap3A_394, %swap3A_395] {strides = array<i32>} : memref<2x800x64xf32, #tpu.memory_space<vmem>>, vector<1x1x16xf32>,
        %swap3A_397 = vector.shape_cast %swap3A_396 : vector<1x1x16xf32> to vector<16xf32>
        %swap3A_398 = vector.shape_cast %mul3A_391 : vector<16xf32> to vector<1x1x16xf32>
        tpu.vector_store %arg6[%swap3A_393, %swap3A_394, %swap3A_395], %swap3A_398 {strides = array<i32>} : memref<2x800x64xf32, #tpu.memory_space<vmem>>, vector<1x1x16xf32>,
        %get3A_399 = arith.constant 1 : i32
        %get3A_400 = arith.index_cast %get3A_399 : i32 to index
        %get3A_401 = arith.index_cast %scan3A_366 : i32 to index
        %get3A_402 = arith.constant 32 : index
        %get3A_403 = tpu.vector_load %arg6[%get3A_400, %get3A_401, %get3A_402] {strides = array<i32>} : memref<2x800x64xf32, #tpu.memory_space<vmem>>, vector<1x1x16xf32>,
        %get3A_404 = vector.shape_cast %get3A_403 : vector<1x1x16xf32> to vector<16xf32>
        %mul3A_405 = arith.constant 8.000000e+00 : f32
        %mul3A_406 = vector.broadcast %mul3A_405 : f32 to vector<16xf32>
        %mul3A_407 = arith.mulf %get3A_404, %mul3A_406 : vector<16xf32>
        %swap3A_408 = arith.constant 1 : i32
        %swap3A_409 = arith.index_cast %swap3A_408 : i32 to index
        %swap3A_410 = arith.index_cast %scan3A_366 : i32 to index
        %swap3A_411 = arith.constant 32 : index
        %swap3A_412 = tpu.vector_load %arg6[%swap3A_409, %swap3A_410, %swap3A_411] {strides = array<i32>} : memref<2x800x64xf32, #tpu.memory_space<vmem>>, vector<1x1x16xf32>,
        %swap3A_413 = vector.shape_cast %swap3A_412 : vector<1x1x16xf32> to vector<16xf32>
        %swap3A_414 = vector.shape_cast %mul3A_407 : vector<16xf32> to vector<1x1x16xf32>
        tpu.vector_store %arg6[%swap3A_409, %swap3A_410, %swap3A_411], %swap3A_414 {strides = array<i32>} : memref<2x800x64xf32, #tpu.memory_space<vmem>>, vector<1x1x16xf32>,
        %get3A_415 = arith.constant 1 : i32
        %get3A_416 = arith.index_cast %get3A_415 : i32 to index
        %get3A_417 = arith.index_cast %scan3A_366 : i32 to index
        %get3A_418 = arith.constant 48 : index
        %get3A_419 = tpu.vector_load %arg6[%get3A_416, %get3A_417, %get3A_418] {strides = array<i32>} : memref<2x800x64xf32, #tpu.memory_space<vmem>>, vector<1x1x16xf32>,
        %get3A_420 = vector.shape_cast %get3A_419 : vector<1x1x16xf32> to vector<16xf32>
        %mul3A_421 = arith.constant 8.000000e+00 : f32
        %mul3A_422 = vector.broadcast %mul3A_421 : f32 to vector<16xf32>
        %mul3A_423 = arith.mulf %get3A_420, %mul3A_422 : vector<16xf32>
        %swap3A_424 = arith.constant 1 : i32
        %swap3A_425 = arith.index_cast %swap3A_424 : i32 to index
        %swap3A_426 = arith.index_cast %scan3A_366 : i32 to index
        %swap3A_427 = arith.constant 48 : index
        %swap3A_428 = tpu.vector_load %arg6[%swap3A_425, %swap3A_426, %swap3A_427] {strides = array<i32>} : memref<2x800x64xf32, #tpu.memory_space<vmem>>, vector<1x1x16xf32>,
        %swap3A_429 = vector.shape_cast %swap3A_428 : vector<1x1x16xf32> to vector<16xf32>
        %swap3A_430 = vector.shape_cast %mul3A_423 : vector<16xf32> to vector<1x1x16xf32>
        tpu.vector_store %arg6[%swap3A_425, %swap3A_426, %swap3A_427], %swap3A_430 {strides = array<i32>} : memref<2x800x64xf32, #tpu.memory_space<vmem>>, vector<1x1x16xf32>,
        %scan3A_431 = arith.constant 3 : i32
        %scan3A_432 = arith.addi %scan3A_236, %scan3A_431 : i32
        %get3A_433 = arith.constant 1 : i32
        %get3A_434 = arith.index_cast %get3A_433 : i32 to index
        %get3A_435 = arith.index_cast %scan3A_432 : i32 to index
        %get3A_436 = arith.constant 0 : index
        %get3A_437 = tpu.vector_load %arg6[%get3A_434, %get3A_435, %get3A_436] {strides = array<i32>} : memref<2x800x64xf32, #tpu.memory_space<vmem>>, vector<1x1x16xf32>,
        %get3A_438 = vector.shape_cast %get3A_437 : vector<1x1x16xf32> to vector<16xf32>
        %mul3A_439 = arith.constant 8.000000e+00 : f32
        %mul3A_440 = vector.broadcast %mul3A_439 : f32 to vector<16xf32>
        %mul3A_441 = arith.mulf %get3A_438, %mul3A_440 : vector<16xf32>
        %swap3A_442 = arith.constant 1 : i32
        %swap3A_443 = arith.index_cast %swap3A_442 : i32 to index
        %swap3A_444 = arith.index_cast %scan3A_432 : i32 to index
        %swap3A_445 = arith.constant 0 : index
        %swap3A_446 = tpu.vector_load %arg6[%swap3A_443, %swap3A_444, %swap3A_445] {strides = array<i32>} : memref<2x800x64xf32, #tpu.memory_space<vmem>>, vector<1x1x16xf32>,
        %swap3A_447 = vector.shape_cast %swap3A_446 : vector<1x1x16xf32> to vector<16xf32>
        %swap3A_448 = vector.shape_cast %mul3A_441 : vector<16xf32> to vector<1x1x16xf32>
        tpu.vector_store %arg6[%swap3A_443, %swap3A_444, %swap3A_445], %swap3A_448 {strides = array<i32>} : memref<2x800x64xf32, #tpu.memory_space<vmem>>, vector<1x1x16xf32>,
        %get3A_449 = arith.constant 1 : i32
        %get3A_450 = arith.index_cast %get3A_449 : i32 to index
        %get3A_451 = arith.index_cast %scan3A_432 : i32 to index
        %get3A_452 = arith.constant 16 : index
        %get3A_453 = tpu.vector_load %arg6[%get3A_450, %get3A_451, %get3A_452] {strides = array<i32>} : memref<2x800x64xf32, #tpu.memory_space<vmem>>, vector<1x1x16xf32>,
        %get3A_454 = vector.shape_cast %get3A_453 : vector<1x1x16xf32> to vector<16xf32>
        %mul3A_455 = arith.constant 8.000000e+00 : f32
        %mul3A_456 = vector.broadcast %mul3A_455 : f32 to vector<16xf32>
        %mul3A_457 = arith.mulf %get3A_454, %mul3A_456 : vector<16xf32>
        %swap3A_458 = arith.constant 1 : i32
        %swap3A_459 = arith.index_cast %swap3A_458 : i32 to index
        %swap3A_460 = arith.index_cast %scan3A_432 : i32 to index
        %swap3A_461 = arith.constant 16 : index
        %swap3A_462 = tpu.vector_load %arg6[%swap3A_459, %swap3A_460, %swap3A_461] {strides = array<i32>} : memref<2x800x64xf32, #tpu.memory_space<vmem>>, vector<1x1x16xf32>,
        %swap3A_463 = vector.shape_cast %swap3A_462 : vector<1x1x16xf32> to vector<16xf32>
        %swap3A_464 = vector.shape_cast %mul3A_457 : vector<16xf32> to vector<1x1x16xf32>
        tpu.vector_store %arg6[%swap3A_459, %swap3A_460, %swap3A_461], %swap3A_464 {strides = array<i32>} : memref<2x800x64xf32, #tpu.memory_space<vmem>>, vector<1x1x16xf32>,
        %get3A_465 = arith.constant 1 : i32
        %get3A_466 = arith.index_cast %get3A_465 : i32 to index
        %get3A_467 = arith.index_cast %scan3A_432 : i32 to index
        %get3A_468 = arith.constant 32 : index
        %get3A_469 = tpu.vector_load %arg6[%get3A_466, %get3A_467, %get3A_468] {strides = array<i32>} : memref<2x800x64xf32, #tpu.memory_space<vmem>>, vector<1x1x16xf32>,
        %get3A_470 = vector.shape_cast %get3A_469 : vector<1x1x16xf32> to vector<16xf32>
        %mul3A_471 = arith.constant 8.000000e+00 : f32
        %mul3A_472 = vector.broadcast %mul3A_471 : f32 to vector<16xf32>
        %mul3A_473 = arith.mulf %get3A_470, %mul3A_472 : vector<16xf32>
        %swap3A_474 = arith.constant 1 : i32
        %swap3A_475 = arith.index_cast %swap3A_474 : i32 to index
        %swap3A_476 = arith.index_cast %scan3A_432 : i32 to index
        %swap3A_477 = arith.constant 32 : index
        %swap3A_478 = tpu.vector_load %arg6[%swap3A_475, %swap3A_476, %swap3A_477] {strides = array<i32>} : memref<2x800x64xf32, #tpu.memory_space<vmem>>, vector<1x1x16xf32>,
        %swap3A_479 = vector.shape_cast %swap3A_478 : vector<1x1x16xf32> to vector<16xf32>
        %swap3A_480 = vector.shape_cast %mul3A_473 : vector<16xf32> to vector<1x1x16xf32>
        tpu.vector_store %arg6[%swap3A_475, %swap3A_476, %swap3A_477], %swap3A_480 {strides = array<i32>} : memref<2x800x64xf32, #tpu.memory_space<vmem>>, vector<1x1x16xf32>,
        %get3A_481 = arith.constant 1 : i32
        %get3A_482 = arith.index_cast %get3A_481 : i32 to index
        %get3A_483 = arith.index_cast %scan3A_432 : i32 to index
        %get3A_484 = arith.constant 48 : index
        %get3A_485 = tpu.vector_load %arg6[%get3A_482, %get3A_483, %get3A_484] {strides = array<i32>} : memref<2x800x64xf32, #tpu.memory_space<vmem>>, vector<1x1x16xf32>,
        %get3A_486 = vector.shape_cast %get3A_485 : vector<1x1x16xf32> to vector<16xf32>
        %mul3A_487 = arith.constant 8.000000e+00 : f32
        %mul3A_488 = vector.broadcast %mul3A_487 : f32 to vector<16xf32>
        %mul3A_489 = arith.mulf %get3A_486, %mul3A_488 : vector<16xf32>
        %swap3A_490 = arith.constant 1 : i32
        %swap3A_491 = arith.index_cast %swap3A_490 : i32 to index
        %swap3A_492 = arith.index_cast %scan3A_432 : i32 to index
        %swap3A_493 = arith.constant 48 : index
        %swap3A_494 = tpu.vector_load %arg6[%swap3A_491, %swap3A_492, %swap3A_493] {strides = array<i32>} : memref<2x800x64xf32, #tpu.memory_space<vmem>>, vector<1x1x16xf32>,
        %swap3A_495 = vector.shape_cast %swap3A_494 : vector<1x1x16xf32> to vector<16xf32>
        %swap3A_496 = vector.shape_cast %mul3A_489 : vector<16xf32> to vector<1x1x16xf32>
        tpu.vector_store %arg6[%swap3A_491, %swap3A_492, %swap3A_493], %swap3A_496 {strides = array<i32>} : memref<2x800x64xf32, #tpu.memory_space<vmem>>, vector<1x1x16xf32>,
      }
      %scan3A_219 = arith.constant 800 : i32
      %mul3A_220 = arith.constant 800 : i32
      %mul3A_221 = arith.muli %add3A_191, %mul3A_220 : i32
      %add3A_222 = arith.addi %mul3A_4, %mul3A_221 : i32
      %dma_start3A_223 = arith.constant 1 : i32
      %dma_start3A_224 = arith.constant 0 : i32
      %dma_start3A_225 = arith.constant 0 : i32
      %dma_start3A_226 = tpu.memref_slice %arg6[%dma_start3A_223, %dma_start3A_224, %dma_start3A_225] : memref<2x800x64xf32, #tpu.memory_space<vmem>> -> memref<1x800x64xf32, #tpu.memory_space<vmem>>
      %dma_start3A_227 = tpu.memref_squeeze %dma_start3A_226 : memref<1x800x64xf32, #tpu.memory_space<vmem>> -> memref<800x64xf32, #tpu.memory_space<vmem>>
      %dma_start3A_228 = arith.constant 0 : i32
      %dma_start3A_229 = tpu.memref_slice %arg4[%add3A_222, %dma_start3A_228] : memref<819200x64xf32, #tpu.memory_space<hbm>> -> memref<800x64xf32, #tpu.memory_space<hbm>>
      %dma_start3A_230 = arith.constant 0 : i32
      %dma_start3A_231 = tpu.memref_slice %arg4[%add3A_222, %dma_start3A_230] : memref<819200x64xf32, #tpu.memory_space<hbm>> -> memref<800x64xf32, #tpu.memory_space<hbm>>
      %dma_start3A_232 = arith.constant 0 : i32
      %dma_start3A_233 = arith.constant 0 : i32
      %dma_start3A_234 = tpu.memref_slice %arg6[%dma_start3A_223, %dma_start3A_232, %dma_start3A_233] : memref<2x800x64xf32, #tpu.memory_space<vmem>> -> memref<1x800x64xf32, #tpu.memory_space<vmem>>
      %dma_start3A_235 = tpu.memref_squeeze %dma_start3A_234 : memref<1x800x64xf32, #tpu.memory_space<vmem>> -> memref<800x64xf32, #tpu.memory_space<vmem>>
      tpu.enqueue_dma source(%dma_start3A_235 : memref<800x64xf32, #tpu.memory_space<vmem>>) target(%dma_start3A_231 : memref<800x64xf32, #tpu.memory_space<hbm>>) target_semaphore(%arg10 : memref<!tpu.dma_semaphore, #tpu.memory_space<semaphore_mem>>)
    }
    %scan3A_114 = arith.constant 16 : i32
    %dma_wait3A = arith.constant 0 : i32
    %dma_wait3A_115 = arith.constant 0 : i32
    %dma_wait3A_116 = arith.constant 0 : i32
    %dma_wait3A_117 = tpu.memref_slice %arg6[%dma_wait3A, %dma_wait3A_115, %dma_wait3A_116] : memref<2x800x64xf32, #tpu.memory_space<vmem>> -> memref<1x800x64xf32, #tpu.memory_space<vmem>>
    %dma_wait3A_118 = tpu.memref_squeeze %dma_wait3A_117 : memref<1x800x64xf32, #tpu.memory_space<vmem>> -> memref<800x64xf32, #tpu.memory_space<vmem>>
    %dma_wait3A_119 = arith.constant 0 : i32
    %dma_wait3A_120 = arith.constant 0 : i32
    %dma_wait3A_121 = tpu.memref_slice %arg4[%dma_wait3A_119, %dma_wait3A_120] : memref<819200x64xf32, #tpu.memory_space<hbm>> -> memref<800x64xf32, #tpu.memory_space<hbm>>
    %dma_wait3A_122 = arith.constant 0 : i32
    %dma_wait3A_123 = arith.constant 0 : i32
    %dma_wait3A_124 = tpu.memref_slice %arg4[%dma_wait3A_122, %dma_wait3A_123] : memref<819200x64xf32, #tpu.memory_space<hbm>> -> memref<800x64xf32, #tpu.memory_space<hbm>>
    %dma_wait3A_125 = arith.constant 0 : i32
    %dma_wait3A_126 = arith.constant 0 : i32
    %dma_wait3A_127 = tpu.memref_slice %arg6[%dma_wait3A, %dma_wait3A_125, %dma_wait3A_126] : memref<2x800x64xf32, #tpu.memory_space<vmem>> -> memref<1x800x64xf32, #tpu.memory_space<vmem>>
    %dma_wait3A_128 = tpu.memref_squeeze %dma_wait3A_127 : memref<1x800x64xf32, #tpu.memory_space<vmem>> -> memref<800x64xf32, #tpu.memory_space<vmem>>
    tpu.wait_dma2 semaphore(%arg9 : memref<!tpu.dma_semaphore, #tpu.memory_space<semaphore_mem>>) src(%dma_wait3A_128 : memref<800x64xf32, #tpu.memory_space<vmem>>) dst(%dma_wait3A_124 : memref<800x64xf32, #tpu.memory_space<hbm>>)
    %dma_wait3A_129 = arith.constant 1 : i32
    %dma_wait3A_130 = arith.constant 0 : i32
    %dma_wait3A_131 = arith.constant 0 : i32
    %dma_wait3A_132 = tpu.memref_slice %arg6[%dma_wait3A_129, %dma_wait3A_130, %dma_wait3A_131] : memref<2x800x64xf32, #tpu.memory_space<vmem>> -> memref<1x800x64xf32, #tpu.memory_space<vmem>>
    %dma_wait3A_133 = tpu.memref_squeeze %dma_wait3A_132 : memref<1x800x64xf32, #tpu.memory_space<vmem>> -> memref<800x64xf32, #tpu.memory_space<vmem>>
    %dma_wait3A_134 = arith.constant 0 : i32
    %dma_wait3A_135 = arith.constant 0 : i32
    %dma_wait3A_136 = tpu.memref_slice %arg4[%dma_wait3A_134, %dma_wait3A_135] : memref<819200x64xf32, #tpu.memory_space<hbm>> -> memref<800x64xf32, #tpu.memory_space<hbm>>
    %dma_wait3A_137 = arith.constant 0 : i32
    %dma_wait3A_138 = arith.constant 0 : i32
    %dma_wait3A_139 = tpu.memref_slice %arg4[%dma_wait3A_137, %dma_wait3A_138] : memref<819200x64xf32, #tpu.memory_space<hbm>> -> memref<800x64xf32, #tpu.memory_space<hbm>>
    %dma_wait3A_140 = arith.constant 0 : i32
    %dma_wait3A_141 = arith.constant 0 : i32
    %dma_wait3A_142 = tpu.memref_slice %arg6[%dma_wait3A_129, %dma_wait3A_140, %dma_wait3A_141] : memref<2x800x64xf32, #tpu.memory_space<vmem>> -> memref<1x800x64xf32, #tpu.memory_space<vmem>>
    %dma_wait3A_143 = tpu.memref_squeeze %dma_wait3A_142 : memref<1x800x64xf32, #tpu.memory_space<vmem>> -> memref<800x64xf32, #tpu.memory_space<vmem>>
    tpu.wait_dma2 semaphore(%arg10 : memref<!tpu.dma_semaphore, #tpu.memory_space<semaphore_mem>>) src(%dma_wait3A_143 : memref<800x64xf32, #tpu.memory_space<vmem>>) dst(%dma_wait3A_139 : memref<800x64xf32, #tpu.memory_space<hbm>>)
    return
  }
}

</mosaic_0001>

<sc_bundles>
// kernel: _emb_lookup.3.cloned.1.call-start
scs
__scs_entry_jumppad:
0x0: {  	(pc) =	sbr.rel $0x88, $3  }
0x1: {  	(tag) =	ssettag $0x0;
	lr =	simm.s32 $0x1  }
0x2: {  	[smem:$0x3F9F] =	sst lr;
	_ =	strace $0xD0000000  }
0x3: {  	_ = 	snop  }
0x4: {  	_ = 	snop  }
0x5: {  	_ = 	snop  }
0x6: {  	_ = 	snop  }
0x7: {  	_ = 	snop  }
__scs_overlays_trampoline_lowered:
0x8: {  	[smem:$0x3FAE] =	sst s0  }
0x9: {  	[smem:$0x3FAF] =	sst s1  }
0xa: {  	[smem:$0x3FB0] =	sst s2  }
0xb: {  	[smem:$0x3FB1] =	sst s3  }
0xc: {  	[smem:$0x3FB2] =	sst s4  }
0xd: {  	[smem:$0x3FB3] =	sst s5  }
0xe: {  	[smem:$0x3FB4] =	sst s6  }
0xf: {  	[smem:$0x3FB5] =	sst s7  }
0x10: {  	[smem:$0x3FB6] =	sst s8  }
0x11: {  	[smem:$0x3FB7] =	sst s9;
	s0 =	simm.s32 @!p0 $0x0  }
0x12: {  	s1 =	sld [smem:$0x3F9D];
	s0 =	simm.s32 @p0 $0x1  }
0x13: {  	[smem:$0x3FB8] =	sst s0;
	s0 =	simm.s32 @!p1 $0x0  }
0x14: {  	s2 =	sld [smem:$0x3F9C];
	s0 =	simm.s32 @p1 $0x1  }
0x15: {  	[smem:$0x3FB9] =	sst s0;
	s0 =	simm.s32 @!p2 $0x0  }
0x16: {  	s3 =	sld [smem:$0x3FDB];
	s0 =	simm.s32 @p2 $0x1  }
0x17: {  	s4 =	simm.s32 $0x1BF5;
	[smem:$0x3FBB] =	sst s0  }
0x18: {  	s0 =	sld [smem:$0x3F9E];
	_ =	swait.ge [sflag:s4], $0x0  }
0x19: {  	s7 =	sld [smem:$0x3F9F]  }
0x1a: {  	s8 =	sadd.s32 $0xFFFFE003, lr  }
0x1b: {  	s9 =	sadd.s32 $0xFFFFFEF7, lr;
	s5 =	simm.s32 $0xFFFFFFFF;
	p2 =	slt.u32 s8, $0xFFFFF086  }
0x1c: {  	p1 =	slt.u32 s9, $0xF7A;
	s5 =	simm.s32 @!p2 $0x0  }
0x1d: {  	s5 =	simm.s32 @p1 $0x1;
	p0 =	seq.s32 s7, s2  }
0x1e: {  	s7 =	smul.u32 @!p0 $0xF7A, s2;
	p2 =	seq.s32 @!p0 s5, $0x0  }
0x1f: {  	s9 =	smul.u32 $0xF7A, s1;
	s8 =	simm.s32 @!p0 $0x1BF5;
	p2 =	por !p2, p0  }
0x20: {  	[sflag:s8] =	ssyncset.s32 @!p0 $0xFFFFF086;
	s6 =	sadd.s32 @!p0 s3, s7;
	s7 =	simm.s32 @!p0 $0x108  }
0x21: {  	s3 =	sadd.s32 s3, s9;
	s6 =	sadd.s32 @!p0 $0x88, s6;
	s7 =	simm.s32 @p2 $0x1082  }
0x22: {  	[simem:s7], [sflag:s8] =	dma.local @!p0 [hbm:s6], $0xF7A  }
0x23: {  	s9 =	sor.u32 $0xD0000000, s2;
	s6 =	simm.s32 $0x108;
	_ =	swait.ge @!p0 [sflag:s8], $0x0  }
0x24: {  	s3 =	sadd.s32 $0x88, s3;
	s6 =	simm.s32 @!p1 $0x1082;
	[sflag:s4] =	ssyncset.s32 $0xFFFFF086  }
0x25: {  	[simem:s6], [sflag:s4] =	dma.local [hbm:s3], $0xF7A  }
0x26: {  	[smem:$0x3F9F] =	sst s1;
	(tag) =	ssettag s2;
	_ =	strace s9  }
0x27: {  	s1 =	sld [smem:$0x3FAF]  }
0x28: {  	s2 =	sld [smem:$0x3FB0]  }
0x29: {  	s4 =	sld [smem:$0x3FB2]  }
0x2a: {  	p0 =	seq.s32 s5, $0x0;
	s5 =	sld [smem:$0x3FB3]  }
0x2b: {  	s6 =	sld [smem:$0x3FB4]  }
0x2c: {  	s7 =	sld [smem:$0x3FB5]  }
0x2d: {  	s3 =	simm.s32 $0x108;
	s8 =	sld [smem:$0x3FB6]  }
0x2e: {  	s3 =	simm.s32 @!p0 $0x1082;
	s9 =	sld [smem:$0x3FB7]  }
0x2f: {  	lr =	sadd.s32 s0, s3;
	s0 =	sld [smem:$0x3FAE]  }
0x30: {  	s3 =	sld [smem:$0x3FB1]  }
0x31: {  	[smem:$0x3FBA] =	sst s10  }
0x32: {  	s10 =	sld [smem:$0x3FB8];
	_ =	sdelay $0x3  }
0x33: {  	p0 =	seq.s32 s10, $0x1;
	s10 =	sld [smem:$0x3FBA];
	_ =	sdelay $0x3  }
0x34: {  	[smem:$0x3FBA] =	sst s10  }
0x35: {  	s10 =	sld [smem:$0x3FB9];
	_ =	sdelay $0x3  }
0x36: {  	p1 =	seq.s32 s10, $0x1;
	s10 =	sld [smem:$0x3FBA];
	_ =	sdelay $0x3  }
0x37: {  	[smem:$0x3FBA] =	sst s10  }
0x38: {  	s10 =	sld [smem:$0x3FBB]  }
0x39: {  	_ = 	snop;
	(pc) =	sbr.ind lr, $3  }
0x3a: {  	_ = 	snop  }
0x3b: {  	_ = 	snop  }
0x3c: {  	p2 =	seq.s32 s10, $0x1;
	s10 =	sld [smem:$0x3FBA]  }
0x3d: {  	_ =	shalt  }
0x3e: {  	_ =	shalt  }
0x3f: {  	_ =	shalt  }
0x40: {  	_ =	shalt  }
0x41: {  	_ =	shalt  }
0x42: {  	_ =	shalt  }
0x43: {  	_ =	shalt  }
0x44: {  	_ =	shalt  }
0x45: {  	_ =	shalt  }
0x46: {  	_ =	shalt  }
0x47: {  	_ =	shalt  }
0x48: {  	_ =	shalt  }
0x49: {  	_ =	shalt  }
0x4a: {  	_ =	shalt  }
0x4b: {  	_ =	shalt  }
0x4c: {  	_ =	shalt  }
0x4d: {  	_ =	shalt  }
0x4e: {  	_ =	shalt  }
0x4f: {  	_ =	shalt  }
0x50: {  	_ =	shalt  }
0x51: {  	_ =	shalt  }
0x52: {  	_ =	shalt  }
0x53: {  	_ =	shalt  }
0x54: {  	_ =	shalt  }
0x55: {  	_ =	shalt  }
0x56: {  	_ =	shalt  }
0x57: {  	_ =	shalt  }
0x58: {  	_ =	shalt  }
0x59: {  	_ =	shalt  }
0x5a: {  	_ =	shalt  }
0x5b: {  	_ =	shalt  }
0x5c: {  	_ =	shalt  }
0x5d: {  	_ =	shalt  }
0x5e: {  	_ =	shalt  }
0x5f: {  	_ =	shalt  }
0x60: {  	_ =	shalt  }
0x61: {  	_ =	shalt  }
0x62: {  	_ =	shalt  }
0x63: {  	_ =	shalt  }
0x64: {  	_ =	shalt  }
0x65: {  	_ =	shalt  }
0x66: {  	_ =	shalt  }
0x67: {  	_ =	shalt  }
0x68: {  	_ =	shalt  }
0x69: {  	_ =	shalt  }
0x6a: {  	_ =	shalt  }
0x6b: {  	_ =	shalt  }
0x6c: {  	_ =	shalt  }
0x6d: {  	_ =	shalt  }
0x6e: {  	_ =	shalt  }
0x6f: {  	_ =	shalt  }
0x70: {  	_ =	shalt  }
0x71: {  	_ =	shalt  }
0x72: {  	_ =	shalt  }
0x73: {  	_ =	shalt  }
0x74: {  	_ =	shalt  }
0x75: {  	_ =	shalt  }
0x76: {  	_ =	shalt  }
0x77: {  	_ =	shalt  }
0x78: {  	_ =	shalt  }
0x79: {  	_ =	shalt  }
0x7a: {  	_ =	shalt  }
0x7b: {  	_ =	shalt  }
0x7c: {  	_ =	shalt  }
0x7d: {  	_ =	shalt  }
0x7e: {  	_ =	shalt  }
0x7f: {  	_ =	shalt  }
0x80: {  	_ =	shalt  }
0x81: {  	_ =	shalt  }
0x82: {  	_ =	shalt  }
0x83: {  	_ =	shalt  }
0x84: {  	_ =	shalt  }
0x85: {  	_ =	shalt  }
0x86: {  	_ =	shalt  }
0x87: {  	_ =	shalt  }
.Lfunc_end0:
.L_simem_size_0:
called_computation.1_lowered:
.L_overlay_start_0:
0x88: {  	s2 =	sld [smem:$0x3FD9]  }
0x89: {  	s3 =	sld [smem:$0x3FFE];
	_ =	sdelay $0x1  }
0x8a: {  	s1 =	srdreg.scid  }
0x8b: {  	s0 =	sand.u32 $0x1, s1  }
0x8c: {  	s17 =	sshll.u32 s0, $0xA;
	s2 =	sadd.s32 s3, s2  }
0x8d: {  	s2 =	sadd.s32 s2, s17  }
0x8e: {  	[smem:$0x3FC6] =	sst s2  }
0x8f: {  	_ = 	snop  }
0x90: {  	s2 =	sld [smem:$0x3FD0];
	(tm) =	ssettm $0x1  }
0x91: {  	s18 =	sld [smem:$0x3FFB];
	_ =	sdelay $0x3  }
0x92: {  	_ =	strace s18  }
0x93: {  	s3 =	sld [smem:$0x3FFC];
	_ =	sdelay $0x3  }
0x94: {  	_ =	strace s3  }
0x95: {  	s3 =	sld [smem:$0x3FFD];
	_ =	sdelay $0x3  }
0x96: {  	_ =	strace s3  }
0x97: {  	_ =	strace $0x8FFFFFFF  }
0x98: {  	s19 =	sld [smem:$0x3FDB];
	_ =	sdelay $0x1  }
0x99: {  	s4 =	simm.s32 $_scs_section_size  }
0x9a: {  	s5 =	simm.s32 $_size__tile_overlayer_lowered;
	s6 =	simm.s32 $_tile_overlayer_lowered  }
0x9b: {  	s22 =	simm.s32 $0x1BFF;
	s21 =	sshll.u32 s6, $0x1;
	s3 =	sadd.s32 s4, s19  }
0x9c: {  	s7 =	simm.s32 $0x0;
	s20 =	sshll.u32 s5, $0x1;
	s5 =	sadd.s32 s21, s3  }
0x9d: {  	[timem:s7], [sflag:s22] =	dma.local [hbm:s5], s20  }
0x9e: {  	_ =	swait.ge [sflag:s22], s20  }
0x9f: {  	s4 =	ssub.s32 $0x0, s20;
	[sflag:s22] =	ssyncset.done $0x0  }
0xa0: {  	[sflag:s22] =	ssyncadd.s32 s4;
	_ =	sdelay $0x1  }
0xa1: {  	s23 =	simm.s32 $0x1B8B  }
0xa2: {  	_ =	swait.ge [sflag:s23], $0x1  }
0xa3: {  	[sflag:s23] =	ssyncset.done $0x0  }
0xa4: {  	s25 =	simm.s32 $0x1B8E;
	s24 =	sld [smem:$0x3FFE];
	[sflag:s23] =	ssyncadd.s32 $0xFFFFFFFF  }
0xa5: {  	s26 =	simm.s32 $execute0_lowered;
	[smem:$0x3FD2] =	sst s25  }
0xa6: {  	s5 =	sshll.u32 s26, $0x1;
	_ =	strace $0x80000046;
	[dreg:$0x1] =	wrdreg $0xFFFFFFFF  }
0xa7: {  	s28 =	simm.s32 $_size_execute0_lowered;
	s3 =	sadd.s32 s3, s5;
	[dreg:$0x0] =	wrdreg $0x0  }
0xa8: {  	s5 =	sshll.u32 s28, $0x1;
	[dreg:$0x2] =	wrdreg s3  }
0xa9: {  	[dreg:$0x3] =	wrdreg s5  }
0xaa: {  	[dreg:$0x4] =	wrdreg $0xC0  }
0xab: {  	_ =	task [dreg:s7], $0x5FFFF  }
0xac: {  	[dreg:$0x1] =	wrdreg $0xFFFFFFFF  }
0xad: {  	[dreg:$0x0] =	wrdreg $0x60  }
0xae: {  	[dreg:$0x2] =	wrdreg s24  }
0xaf: {  	[dreg:$0x3] =	wrdreg s2  }
0xb0: {  	[dreg:$0x4] =	wrdreg $0x9  }
0xb1: {  	_ =	task.clear_ibuf [dreg:s7], $0x5FFFF;
	_ =	strace $0x90000046  }
0xb2: {  	s29 =	simm.s32 $0x9;
	_ =	strace $0x80000048  }
0xb3: {  	_ =	swait.ge [sflag:s29], $0x1  }
0xb4: {  	[sflag:s29] =	ssyncadd.s32 $0xFFFFFFFF  }
0xb5: {  	_ =	strace $0x90000048  }
0xb6: {  	_ =	sfence  }
0xb7: {  	s30 =	sld [smem:$0x0];
	_ =	sdelay $0x2  }
0xb8: {  	s31 =	sshll.u32 s1, $0xD;
	s1 =	sshrl.u32 s1, $0x2  }
0xb9: {  	s3 =	sand.u32 $0x4000, s31;
	s1 =	sadd.s32 s1, s30  }
0xba: {  	s0 =	sor.u32 s3, s0;
	s1 =	sshll.u32 s1, $0x11  }
0xbb: {  	s0 =	sor.u32 s1, s0  }
0xbc: {  	s0 =	sadd.s32 $0x8F2B, s0  }
0xbd: {  	[sflag:s0] =	ssyncadd.remote.s32 $0x1  }
0xbe: {  	_ =	sfence.sel $0xFFFF  }
0xbf: {  	[dreg:$0x0] =	wrdreg $0xFFFFFFFF;
	(pc) =	sbr.abs _section_cstart, $3  }
0xc0: {  	[dreg:$0x1] =	wrdreg $0xFFFFFFFF  }
0xc1: {  	_ =	task.clear_ibuf [dreg:s7], $0x2FFFF;
	_ =	strace $0x9FFFFFFF  }
0xc2: {  	(tm) =	ssettm $0x7FFFFFFF  }
0xc3: {  	_ =	shalt  }
tec
execute0_lowered:
.L_overlay_start_1:
0x0: {  	(tag) =	ssettag $0x1  }
0x1: {  	s0 =	rddreg [dreg:$0x0]  }
0x2: {  	s2 =	rddreg [dreg:$0x1];
	s3 =	simm.s32 $0x0  }
0x3: {  	s1 =	srdreg.scid;
	s4 =	stileid.u32;
	s11 =	simm.s32 $0x5  }
0x4: {  	s12 =	simm.s32 $0x80;
	s14 =	simm.s32 $0x48;
	s29 =	simm.s32 $0x320  }
0x5: {  	s30 =	simm.s32 $0xCE40;
	s15 =	simm.s32 $0x10040;
	s16 =	simm.s32 $0x468  }
0x6: {  	s17 =	simm.s32 $0x12040;
	s18 =	simm.s32 $0x4B0;
	s19 =	simm.s32 $0x13240  }
0x7: {  	s20 =	simm.s32 $0x530;
	s21 =	simm.s32 $0x15240;
	s22 =	simm.s32 $0x578  }
0x8: {  	s23 =	simm.s32 $0x16440;
	s24 =	simm.s32 $0x5F8;
	s25 =	simm.s32 $0x18440  }
0x9: {  	s28 =	simm.s32 $0x2;
	s1 =	sand.u32 $0x1, s1;
	s4 =	sshll.u32 s4, $0x1  }
0xa: {  	[smem:$0x7FF] =	sst s3;
	s6 =	ssub.s32 $0x2, s1;
	s1 =	sor.u32 s1, s4  }
0xb: {  	s5 =	sadd.s32 $0xF42E00, s0;
	s7 =	sshrl.u32 s6, $0x1;
	s8 =	smul.u32 $0xC80, s1  }
0xc: {  	_ =	strace $0x80000047;
	s4 =	sadd.s32 $0xA00, s0;
	s26 =	ssub.s32 s6, s7  }
0xd: {  	s6 =	sshll.u32 s1, $0x7;
	s7 =	smul.u32 $0x6400, s1;
	s31 =	sadd.s32 s4, s8  }
0xe: {  	s9 =	sor.u32 $0x8, s6;
	s0 =	smax.u32 s26, $0x1;
	[dreg:$0x3] =	wrdreg s31  }
0xf: {  	s26 =	simm.s32 $0x1;
	s8 =	simm.s32 $0x0;
	[dreg:$0x4] =	wrdreg s0  }
.LBB2_1:
0x10: {  	[dreg:$0x5] =	wrdreg s8  }
0x11: {  	s0 =	rddreg [dreg:$0x3]  }
0x12: {  	[tilespmem:s3], [sflag:$0x5] =	stream.linear.gather [hbm4b:s0+s3], $0x320, $0x38;
	[tilespmem:$0x19640] =	vst v63  }
0x13: {  	_ =	swait.ge [sflag:s11], $0x320  }
0x14: {  	[sflag:s11] =	ssyncset.done $0x0  }
0x15: {  	s1 =	simm.s32 $0x640;
	[sflag:s11] =	ssyncadd.s32 $0xFFFFFCE0  }
0x16: {  	[tilespmem:s1], [sflag:$0x1] =	stream.indirect.gather [hbm4b:s5+s12], $0x40, s3, s12, $0xb8;
	[tilespmem:$0x19640] =	vst v63  }
0x17: {  	s8 =	simm.s32 $0x2640  }
0x18: {  	[tilespmem:s8], [sflag:$0x1] =	stream.indirect.gather [hbm4b:s5+s14], $0x40, s12, s14, $0xb8;
	[tilespmem:$0x19640] =	vst v63  }
0x19: {  	s10 =	simm.s32 $0xC8;
	s1 =	simm.s32 $0x3840  }
0x1a: {  	[tilespmem:s1], [sflag:$0x1] =	stream.indirect.gather [hbm4b:s5+s12], $0x40, s10, s12, $0xb8;
	[tilespmem:$0x19640] =	vst v63  }
0x1b: {  	s13 =	simm.s32 $0x148;
	s31 =	simm.s32 $0x5840  }
0x1c: {  	[tilespmem:s31], [sflag:$0x1] =	stream.indirect.gather [hbm4b:s5+s14], $0x40, s13, s14, $0xb8;
	[tilespmem:$0x19640] =	vst v63  }
0x1d: {  	s8 =	simm.s32 $0x190;
	s10 =	simm.s32 $0x6A40  }
0x1e: {  	[tilespmem:s10], [sflag:$0x1] =	stream.indirect.gather [hbm4b:s5+s12], $0x40, s8, s12, $0xb8;
	[tilespmem:$0x19640] =	vst v63  }
0x1f: {  	s13 =	simm.s32 $0x210;
	s31 =	simm.s32 $0x8A40  }
0x20: {  	[tilespmem:s31], [sflag:$0x1] =	stream.indirect.gather [hbm4b:s5+s14], $0x40, s13, s14, $0xb8;
	[tilespmem:$0x19640] =	vst v63  }
0x21: {  	s8 =	simm.s32 $0x258;
	s10 =	simm.s32 $0x9C40  }
0x22: {  	[tilespmem:s10], [sflag:$0x1] =	stream.indirect.gather [hbm4b:s5+s12], $0x40, s8, s12, $0xb8;
	[tilespmem:$0x19640] =	vst v63  }
0x23: {  	s13 =	simm.s32 $0x2D8;
	s31 =	simm.s32 $0xBC40;
	s10 =	simm.s32 $0x0  }
0x24: {  	[tilespmem:s31], [sflag:$0x1] =	stream.indirect.gather [hbm4b:s5+s14], $0x40, s13, s14, $0xb8;
	[tilespmem:$0x19640] =	vst v63  }
.LBB2_2:
0x25: {  	s8 =	sshllo.u32 s10, $0x1  }
0x26: {  	p0 =	seq.s32 s10, $0x0;
	s0 =	sshll.u32 s8, $0x2  }
0x27: {  	s13 =	simm.s32 @!p0 $0x4;
	s0 =	sadd.s32 s6, s0  }
0x28: {  	_ =	swait.ge @!p0 [sflag:s13], $0xC800;
	s0 =	smul.u32 $0x19, s0  }
0x29: {  	[sflag:s13] =	ssyncset.done @!p0 $0x0  }
0x2a: {  	[sflag:s13] =	ssyncadd.s32 @!p0 $0xFFFF3800;
	s0 =	sadd.s32 s4, s0  }
0x2b: {  	[tilespmem:s29], [sflag:$0x5] =	stream.linear.gather [hbm4b:s0+s3], $0x320, $0x38;
	[tilespmem:$0x19640] =	vst v63  }
0x2c: {  	_ =	swait.ge [sflag:s11], $0x320  }
0x2d: {  	[sflag:s11] =	ssyncset.done $0x0  }
0x2e: {  	[sflag:s11] =	ssyncadd.s32 $0xFFFFFCE0  }
0x2f: {  	[tilespmem:s30], [sflag:$0x2] =	stream.indirect.gather [hbm4b:s5+s12], $0x40, s29, s12, $0xb8;
	[tilespmem:$0x19640] =	vst v63  }
0x30: {  	s1 =	simm.s32 $0xEE40;
	s13 =	simm.s32 $0x3A0  }
0x31: {  	[tilespmem:s1], [sflag:$0x2] =	stream.indirect.gather [hbm4b:s5+s14], $0x40, s13, s14, $0xb8;
	[tilespmem:$0x19640] =	vst v63  }
0x32: {  	s13 =	simm.s32 $0x3E8  }
0x33: {  	[tilespmem:s15], [sflag:$0x2] =	stream.indirect.gather [hbm4b:s5+s12], $0x40, s13, s12, $0xb8;
	[tilespmem:$0x19640] =	vst v63  }
0x34: {  	_ = 	snop  }
0x35: {  	[tilespmem:s17], [sflag:$0x2] =	stream.indirect.gather [hbm4b:s5+s14], $0x40, s16, s14, $0xb8;
	[tilespmem:$0x19640] =	vst v63  }
0x36: {  	_ = 	snop  }
0x37: {  	[tilespmem:s19], [sflag:$0x2] =	stream.indirect.gather [hbm4b:s5+s12], $0x40, s18, s12, $0xb8;
	[tilespmem:$0x19640] =	vst v63  }
0x38: {  	_ = 	snop  }
0x39: {  	[tilespmem:s21], [sflag:$0x2] =	stream.indirect.gather [hbm4b:s5+s14], $0x40, s20, s14, $0xb8;
	[tilespmem:$0x19640] =	vst v63  }
0x3a: {  	_ = 	snop  }
0x3b: {  	[tilespmem:s23], [sflag:$0x2] =	stream.indirect.gather [hbm4b:s5+s12], $0x40, s22, s12, $0xb8;
	[tilespmem:$0x19640] =	vst v63  }
0x3c: {  	_ = 	snop  }
0x3d: {  	[tilespmem:s25], [sflag:$0x2] =	stream.indirect.gather [hbm4b:s5+s14], $0x40, s24, s14, $0xb8;
	[tilespmem:$0x19640] =	vst v63  }
0x3e: {  	_ =	swait.ge [sflag:s26], $0xC800  }
0x3f: {  	[sflag:s26] =	ssyncset.done $0x0  }
0x40: {  	s13 =	simm.s32 $0x6C0;
	[sflag:s26] =	ssyncadd.s32 $0xFFFF3800  }
0x41: {  	v0 =	vld [tilespmem:s13+$0xFFFFFF80]  }
0x42: {  	v1 =	vld [tilespmem:s13+$0xFFFFFF90]  }
0x43: {  	v2 =	vld [tilespmem:s13+$0xFFFFFFA0]  }
0x44: {  	v3 =	vld [tilespmem:s13+$0xFFFFFFB0]  }
0x45: {  	v4 =	vld [tilespmem:s13+$0xFFFFFFC0]  }
0x46: {  	v5 =	vld [tilespmem:s13+$0xFFFFFFD0];
	v0 =	vmul.f32 $8.000000000e+00, v0  }
0x47: {  	v6 =	vld [tilespmem:s13+$0xFFFFFFE0];
	v1 =	vmul.f32 $8.000000000e+00, v1  }
0x48: {  	[tilespmem:s13+$0xFFFFFF80] =	vst v0;
	v0 =	vmul.f32 $8.000000000e+00, v2;
	v2 =	vld [tilespmem:s13+$0x0]  }
0x49: {  	[tilespmem:s13+$0xFFFFFF90] =	vst v1;
	v1 =	vmul.f32 $8.000000000e+00, v3;
	v3 =	vld [tilespmem:s13+$0x10]  }
0x4a: {  	[tilespmem:s13+$0xFFFFFFA0] =	vst v0;
	v0 =	vmul.f32 $8.000000000e+00, v4;
	v4 =	vld [tilespmem:s13+$0x20]  }
0x4b: {  	v7 =	vld [tilespmem:s13+$0x30];
	[tilespmem:s13+$0xFFFFFFB0] =	vst v1;
	v1 =	vmul.f32 $8.000000000e+00, v5  }
0x4c: {  	v5 =	vmul.f32 $8.000000000e+00, v6;
	[tilespmem:s13+$0xFFFFFFC0] =	vst v0;
	v0 =	vld [tilespmem:s13+$0x40]  }
0x4d: {  	[tilespmem:s13+$0xFFFFFFD0] =	vst v1;
	v1 =	vmul.f32 $8.000000000e+00, v2;
	v2 =	vld [tilespmem:s13+$0x50]  }
0x4e: {  	[tilespmem:s13+$0xFFFFFFE0] =	vst v5;
	v6 =	vmul.f32 $8.000000000e+00, v3;
	v3 =	vld [tilespmem:s13+$0x60]  }
0x4f: {  	[tilespmem:s13+$0x0] =	vst v1;
	v5 =	vmul.f32 $8.000000000e+00, v4;
	v4 =	vld [tilespmem:s13+$0x70]  }
0x50: {  	s31 =	simm.s32 $0x0;
	s0 =	simm.s32 $0x7C0;
	v1 =	vld [tilespmem:s13+$0xFFFFFFF0];
	[tilespmem:s13+$0x10] =	vst v6;
	v6 =	vmul.f32 $8.000000000e+00, v7  }
.LBB2_3:
0x51: {  	v7 =	vld [tilespmem:s0+$0xFFFFFF80];
	[tilespmem:s13+$0x20] =	vst v5;
	v0 =	vmul.f32 $8.000000000e+00, v0  }
0x52: {  	v5 =	vld [tilespmem:s0+$0xFFFFFF90];
	[tilespmem:s13+$0x30] =	vst v6;
	v2 =	vmul.f32 $8.000000000e+00, v2  }
0x53: {  	v6 =	vld [tilespmem:s0+$0xFFFFFFA0];
	[tilespmem:s13+$0x40] =	vst v0;
	v0 =	vmul.f32 $8.000000000e+00, v3  }
0x54: {  	v3 =	vld [tilespmem:s0+$0xFFFFFFB0];
	[tilespmem:s13+$0x50] =	vst v2;
	v2 =	vmul.f32 $8.000000000e+00, v4  }
0x55: {  	v4 =	vld [tilespmem:s0+$0xFFFFFFC0];
	v1 =	vmul.f32 $8.000000000e+00, v1;
	[tilespmem:s13+$0x60] =	vst v0  }
0x56: {  	v0 =	vmul.f32 $8.000000000e+00, v7;
	v7 =	vld [tilespmem:s0+$0xFFFFFFD0];
	[tilespmem:s13+$0x70] =	vst v2  }
0x57: {  	v2 =	vmul.f32 $8.000000000e+00, v5;
	v5 =	vld [tilespmem:s0+$0xFFFFFFE0];
	[tilespmem:s13+$0xFFFFFFF0] =	vst v1;
	s13 =	smov.u32 s0  }
0x58: {  	[tilespmem:s0+$0xFFFFFF80] =	vst v0;
	v0 =	vmul.f32 $8.000000000e+00, v6;
	v1 =	vld [tilespmem:s0+$0x0]  }
0x59: {  	[tilespmem:s0+$0xFFFFFF90] =	vst v2;
	v2 =	vmul.f32 $8.000000000e+00, v3;
	v3 =	vld [tilespmem:s0+$0x10]  }
0x5a: {  	s31 =	sadd.s32 $0x4, s31;
	[tilespmem:s0+$0xFFFFFFA0] =	vst v0;
	v0 =	vmul.f32 $8.000000000e+00, v4;
	v4 =	vld [tilespmem:s0+$0x20]  }
0x5b: {  	p0 =	slt.u32 s31, $0x31C;
	[tilespmem:s0+$0xFFFFFFB0] =	vst v2;
	v2 =	vmul.f32 $8.000000000e+00, v7;
	v6 =	vld [tilespmem:s0+$0x30]  }
.Ltmp0:
0x5c: {  	[tilespmem:s0+$0xFFFFFFC0] =	vst v0;
	v5 =	vmul.f32 $8.000000000e+00, v5;
	v0 =	vld [tilespmem:s0+$0x40];
	(pc) =	sbr.rel @p0 .LBB2_3-.Ltmp0, $4  }
0x5d: {  	[tilespmem:s0+$0xFFFFFFD0] =	vst v2;
	v1 =	vmul.f32 $8.000000000e+00, v1;
	v2 =	vld [tilespmem:s0+$0x50]  }
0x5e: {  	[tilespmem:s0+$0xFFFFFFE0] =	vst v5;
	v7 =	vmul.f32 $8.000000000e+00, v3;
	v3 =	vld [tilespmem:s0+$0x60]  }
0x5f: {  	[tilespmem:s0+$0x0] =	vst v1;
	v5 =	vmul.f32 $8.000000000e+00, v4;
	v4 =	vld [tilespmem:s0+$0x70]  }
0x60: {  	s0 =	sadd.s32 $0x100, s0;
	v1 =	vld [tilespmem:s13+$0xFFFFFFF0];
	[tilespmem:s13+$0x10] =	vst v7;
	v6 =	vmul.f32 $8.000000000e+00, v6  }
0x61: {  	[tilespmem:s13+$0x20] =	vst v5;
	v0 =	vmul.f32 $8.000000000e+00, v0  }
0x62: {  	[tilespmem:s13+$0x30] =	vst v6;
	v2 =	vmul.f32 $8.000000000e+00, v2  }
0x63: {  	s0 =	smul.u32 $0x640, s10;
	[tilespmem:s13+$0x40] =	vst v0;
	v0 =	vmul.f32 $8.000000000e+00, v3  }
0x64: {  	[tilespmem:s13+$0x50] =	vst v2;
	v2 =	vmul.f32 $8.000000000e+00, v4  }
0x65: {  	s0 =	sadd.s32 s7, s0;
	v1 =	vmul.f32 $8.000000000e+00, v1;
	[tilespmem:s13+$0x60] =	vst v0  }
0x66: {  	s0 =	sshll.u32 s0, $0x3;
	[tilespmem:s13+$0x70] =	vst v2  }
0x67: {  	s1 =	simm.s32 $0x640;
	p0 =	seq.s32 s10, $0xF;
	s0 =	sadd.s32 s2, s0;
	[tilespmem:s13+$0xFFFFFFF0] =	vst v1  }
0x68: {  	[hbm4b:s0+s3] =	stream.linear.scatter [tilespmem:s1], [sflag:$0x3], $0xC800, $0x38;
	[tilespmem:$0x19640] =	vst v63  }
0x69: {  	s0 =	sshll.u32 @!p0 s10, $0x3  }
0x6a: {  	s13 =	simm.s32 @!p0 $0x3;
	s0 =	sadd.s32 @!p0 s0, s9  }
0x6b: {  	_ =	swait.ge @!p0 [sflag:s13], $0xC800;
	s0 =	smul.u32 @!p0 $0x19, s0  }
0x6c: {  	[sflag:s13] =	ssyncset.done @!p0 $0x0  }
0x6d: {  	[sflag:s13] =	ssyncadd.s32 @!p0 $0xFFFF3800;
	s13 =	simm.s32 @!p0 $0x0;
	s0 =	sadd.s32 @!p0 s4, s0  }
0x6e: {  	[tilespmem:s13], [sflag:$0x5] =	stream.linear.gather @!p0 [hbm4b:s0+s13], $0x320, $0x38;
	[tilespmem:$0x19640] =	vst v63  }
0x6f: {  	s0 =	simm.s32 @!p0 $0x5  }
0x70: {  	_ =	swait.ge @!p0 [sflag:s0], $0x320  }
0x71: {  	[sflag:s0] =	ssyncset.done @!p0 $0x0  }
0x72: {  	s31 =	simm.s32 @!p0 $0x640;
	[sflag:s0] =	ssyncadd.s32 @!p0 $0xFFFFFCE0;
	s0 =	simm.s32 @!p0 $0x80  }
0x73: {  	[tilespmem:s31], [sflag:$0x1] =	stream.indirect.gather @!p0 [hbm4b:s5+s0], $0x40, s13, s0, $0xb8;
	[tilespmem:$0x19640] =	vst v63  }
0x74: {  	s13 =	simm.s32 @!p0 $0x48;
	s31 =	simm.s32 @!p0 $0x2640  }
0x75: {  	[tilespmem:s31], [sflag:$0x1] =	stream.indirect.gather @!p0 [hbm4b:s5+s13], $0x40, s0, s13, $0xb8;
	[tilespmem:$0x19640] =	vst v63  }
0x76: {  	s1 =	simm.s32 @!p0 $0x3840;
	s31 =	simm.s32 @!p0 $0xC8  }
0x77: {  	[tilespmem:s1], [sflag:$0x1] =	stream.indirect.gather @!p0 [hbm4b:s5+s0], $0x40, s31, s0, $0xb8;
	[tilespmem:$0x19640] =	vst v63  }
0x78: {  	s1 =	simm.s32 @!p0 $0x148;
	s31 =	simm.s32 @!p0 $0x5840  }
0x79: {  	[tilespmem:s31], [sflag:$0x1] =	stream.indirect.gather @!p0 [hbm4b:s5+s13], $0x40, s1, s13, $0xb8;
	[tilespmem:$0x19640] =	vst v63  }
0x7a: {  	s1 =	simm.s32 @!p0 $0x190;
	s31 =	simm.s32 @!p0 $0x6A40  }
0x7b: {  	[tilespmem:s31], [sflag:$0x1] =	stream.indirect.gather @!p0 [hbm4b:s5+s0], $0x40, s1, s0, $0xb8;
	[tilespmem:$0x19640] =	vst v63  }
0x7c: {  	s1 =	simm.s32 @!p0 $0x210;
	s31 =	simm.s32 @!p0 $0x8A40  }
0x7d: {  	[tilespmem:s31], [sflag:$0x1] =	stream.indirect.gather @!p0 [hbm4b:s5+s13], $0x40, s1, s13, $0xb8;
	[tilespmem:$0x19640] =	vst v63  }
0x7e: {  	s1 =	simm.s32 @!p0 $0x258;
	s31 =	simm.s32 @!p0 $0x9C40  }
0x7f: {  	[tilespmem:s31], [sflag:$0x1] =	stream.indirect.gather @!p0 [hbm4b:s5+s0], $0x40, s1, s0, $0xb8;
	[tilespmem:$0x19640] =	vst v63  }
0x80: {  	s0 =	simm.s32 @!p0 $0x2D8;
	s1 =	simm.s32 @!p0 $0xBC40  }
0x81: {  	[tilespmem:s1], [sflag:$0x1] =	stream.indirect.gather @!p0 [hbm4b:s5+s13], $0x40, s0, s13, $0xb8;
	[tilespmem:$0x19640] =	vst v63  }
0x82: {  	_ =	swait.ge [sflag:s28], $0xC800  }
0x83: {  	[sflag:s28] =	ssyncset.done $0x0  }
0x84: {  	s13 =	simm.s32 $0xCE40;
	[sflag:s28] =	ssyncadd.s32 $0xFFFF3800  }
0x85: {  	v1 =	vld [tilespmem:s13+$0xA0]  }
0x86: {  	v2 =	vld [tilespmem:s13+$0x40]  }
0x87: {  	v3 =	vld [tilespmem:s13+$0xE0]  }
0x88: {  	v4 =	vld [tilespmem:s13+$0xD0]  }
0x89: {  	v5 =	vld [tilespmem:s13+$0x20]  }
0x8a: {  	v0 =	vld [tilespmem:s13+$0x90]  }
0x8b: {  	v8 =	vld [tilespmem:s13+$0xC0]  }
0x8c: {  	v7 =	vld [tilespmem:s13+$0x10]  }
0x8d: {  	v9 =	vld [tilespmem:s13+$0x0];
	v1 =	vmul.f32 $8.000000000e+00, v1  }
0x8e: {  	v11 =	vld [tilespmem:s13+$0x50];
	v4 =	vmul.f32 $8.000000000e+00, v4  }
0x8f: {  	v10 =	vld [tilespmem:s13+$0xB0];
	v12 =	vmul.f32 $8.000000000e+00, v5;
	[tilespmem:s13+$0xA0] =	vst v1  }
0x90: {  	v6 =	vld [tilespmem:s13+$0xF0];
	v13 =	vmul.f32 $8.000000000e+00, v8;
	[tilespmem:s13+$0xD0] =	vst v4  }
0x91: {  	v1 =	vmul.f32 $8.000000000e+00, v2;
	v2 =	vmul.f32 $8.000000000e+00, v3;
	v3 =	vld [tilespmem:s13+$0x80];
	[tilespmem:s13+$0x20] =	vst v12  }
0x92: {  	v4 =	vld [tilespmem:s13+$0x70];
	[tilespmem:s13+$0xC0] =	vst v13  }
0x93: {  	v8 =	vmul.f32 $8.000000000e+00, v9;
	v5 =	vld [tilespmem:s13+$0x60];
	v9 =	vmul.f32 $8.000000000e+00, v11;
	[tilespmem:s13+$0x40] =	vst v1  }
0x94: {  	s31 =	simm.s32 $0x0;
	s0 =	simm.s32 $0xCF40;
	[tilespmem:s13+$0xE0] =	vst v2;
	v1 =	vmul.f32 $8.000000000e+00, v7;
	v7 =	vld [tilespmem:s13+$0x30];
	v2 =	vmul.f32 $8.000000000e+00, v10  }
.LBB2_5:
0x95: {  	v10 =	vld [tilespmem:s0+$0xA0];
	s31 =	sadd.s32 $0x4, s31;
	[tilespmem:s13+$0x0] =	vst v8;
	v0 =	vmul.f32 $8.000000000e+00, v0;
	v6 =	vmul.f32 $8.000000000e+00, v6  }
0x96: {  	v8 =	vld [tilespmem:s0+$0x40];
	p0 =	slt.u32 s31, $0x31C;
	[tilespmem:s13+$0x50] =	vst v9;
	v3 =	vmul.f32 $8.000000000e+00, v3  }
0x97: {  	v9 =	vld [tilespmem:s0+$0xE0];
	v4 =	vmul.f32 $8.000000000e+00, v4;
	[tilespmem:s13+$0xF0] =	vst v6  }
0x98: {  	v11 =	vld [tilespmem:s0+$0x20];
	v5 =	vmul.f32 $8.000000000e+00, v5;
	[tilespmem:s13+$0x80] =	vst v3  }
0x99: {  	v3 =	vld [tilespmem:s0+$0xD0];
	v6 =	vmul.f32 $8.000000000e+00, v7;
	[tilespmem:s13+$0x90] =	vst v0  }
0x9a: {  	v0 =	vld [tilespmem:s0+$0x90];
	v7 =	vmul.f32 $8.000000000e+00, v10;
	[tilespmem:s13+$0x10] =	vst v1  }
0x9b: {  	v1 =	vld [tilespmem:s0+$0x10];
	[tilespmem:s13+$0x30] =	vst v6  }
0x9c: {  	v10 =	vld [tilespmem:s0+$0xC0];
	v9 =	vmul.f32 $8.000000000e+00, v9;
	[tilespmem:s13+$0xB0] =	vst v2  }
0x9d: {  	v2 =	vld [tilespmem:s0+$0x0];
	[tilespmem:s13+$0x70] =	vst v4  }
0x9e: {  	v12 =	vld [tilespmem:s0+$0xB0];
	v3 =	vmul.f32 $8.000000000e+00, v3;
	[tilespmem:s13+$0x60] =	vst v5;
	s13 =	smov.u32 s0  }
0x9f: {  	v13 =	vld [tilespmem:s0+$0x50];
	[tilespmem:s0+$0xA0] =	vst v7  }
.Ltmp1:
0xa0: {  	v4 =	vmul.f32 $8.000000000e+00, v8;
	[tilespmem:s0+$0xD0] =	vst v3;
	v6 =	vld [tilespmem:s0+$0xF0];
	(pc) =	sbr.rel @p0 .LBB2_5-.Ltmp1, $4  }
0xa1: {  	v3 =	vld [tilespmem:s0+$0x80];
	v7 =	vmul.f32 $8.000000000e+00, v10;
	[tilespmem:s0+$0xE0] =	vst v9  }
0xa2: {  	v9 =	vmul.f32 $8.000000000e+00, v11;
	[tilespmem:s0+$0x40] =	vst v4;
	v4 =	vld [tilespmem:s0+$0x70]  }
0xa3: {  	v1 =	vmul.f32 $8.000000000e+00, v1;
	v8 =	vmul.f32 $8.000000000e+00, v2;
	v5 =	vld [tilespmem:s0+$0x60];
	[tilespmem:s0+$0xC0] =	vst v7  }
0xa4: {  	v2 =	vmul.f32 $8.000000000e+00, v12;
	s0 =	sadd.s32 $0x100, s0;
	[tilespmem:s13+$0x20] =	vst v9;
	v7 =	vld [tilespmem:s13+$0x30];
	v9 =	vmul.f32 $8.000000000e+00, v13  }
0xa5: {  	[tilespmem:s13+$0x0] =	vst v8  }
0xa6: {  	[tilespmem:s13+$0x10] =	vst v1  }
0xa7: {  	v6 =	vmul.f32 $8.000000000e+00, v6;
	[tilespmem:s13+$0x50] =	vst v9  }
0xa8: {  	v0 =	vmul.f32 $8.000000000e+00, v0;
	[tilespmem:s13+$0xB0] =	vst v2  }
0xa9: {  	s0 =	smul.u32 $0x320, s8;
	s10 =	sadd.s32 $0x1, s10;
	v3 =	vmul.f32 $8.000000000e+00, v3;
	[tilespmem:s13+$0xF0] =	vst v6  }
0xaa: {  	p0 =	sne.s32 s10, $0x10;
	[tilespmem:s13+$0x90] =	vst v0;
	v62 =	vmul.f32 $8.000000000e+00, v4  }
.Ltmp2:
0xab: {  	s0 =	sadd.s32 s7, s0;
	[tilespmem:s13+$0x80] =	vst v3;
	v63 =	vmul.f32 $8.000000000e+00, v5;
	(pc) =	sbr.rel @p0 .LBB2_2-.Ltmp2, $4  }
0xac: {  	s0 =	sshll.u32 s0, $0x3;
	v61 =	vmul.f32 $8.000000000e+00, v7;
	[tilespmem:s13+$0x70] =	vst v62  }
0xad: {  	s0 =	sand.u32 $0x1FFFFF00, s0;
	[tilespmem:s13+$0x60] =	vst v63  }
0xae: {  	s0 =	sadd.s32 s2, s0;
	[tilespmem:s13+$0x30] =	vst v61  }
0xaf: {  	[hbm4b:s0+s3] =	stream.linear.scatter [tilespmem:s30], [sflag:$0x4], $0xC800, $0x38;
	[tilespmem:$0x19640] =	vst v63  }
0xb0: {  	s0 =	simm.s32 $0x3  }
0xb1: {  	_ =	swait.ge [sflag:s0], $0xC800  }
0xb2: {  	[sflag:s0] =	ssyncset.done $0x0  }
0xb3: {  	s1 =	simm.s32 $0x4;
	[sflag:s0] =	ssyncadd.s32 $0xFFFF3800  }
0xb4: {  	_ =	swait.ge [sflag:s1], $0xC800  }
0xb5: {  	s8 =	rddreg [dreg:$0x5]  }
0xb6: {  	s31 =	rddreg [dreg:$0x4];
	s8 =	sadd.s32 $0x1, s8  }
0xb7: {  	p0 =	sne.s32 s8, s31  }
.Ltmp3:
0xb8: {  	_ = 	snop;
	(pc) =	sbr.rel @p0 .LBB2_1-.Ltmp3, $3  }
0xb9: {  	_ =	sdelay $0x1  }
0xba: {  	[sflag:s1] =	ssyncset.done $0x0  }
0xbb: {  	[sflag:s1] =	ssyncadd.s32 $0xFFFF3800  }
0xbc: {  	_ =	sfence.sel $0x180000  }
0xbd: {  	[bflag:$0x0] =	sbarrier.arrive $0xFFFF  }
0xbe: {  	_ =	strace $0x90000047  }
0xbf: {  	s0 =	stileid.u32;
	[bflag:$0x2] =	sbarrier.arrive $0xFFFF  }
0xc0: {  	p0 =	sne.s32 s0, $0x0;
	s0 =	rddreg [dreg:$0x2]  }
0xc1: {  	s0 =	sadd.s32 @!p0 $0x100000, s0  }
0xc2: {  	[sflag:s0] =	ssyncadd.tile.s32 @!p0 $0x1;
	_ =	shalt  }
.Lfunc_end2:
_tile_overlayer_lowered:
.L_overlay_start_2:
0xc3: {  	(tag) =	ssettag $0x2  }
0xc4: {  	s0 =	rddreg [dreg:$0x0];
	s2 =	stileid.u32  }
0xc5: {  	s1 =	rddreg [dreg:$0x1];
	p0 =	sne.s32 s2, $0x0  }
0xc6: {  	s3 =	rddreg [dreg:$0x2];
	[bflag:$0x3] =	sbarrier.arrive $0xFFFF;
	s2 =	simm.s32 @!p0 $0x1C05  }
0xc7: {  	[timem:s3], [sflag:s2] =	dma.local @!p0 [hbm:s0], s1  }
0xc8: {  	s0 =	simm.s32 @!p0 $0x5  }
0xc9: {  	_ =	swait.ge @!p0 [sflag:s0], s1  }
0xca: {  	s1 =	ssub.s32 @!p0 $0x0, s1;
	[sflag:s0] =	ssyncset.done @!p0 $0x0  }
0xcb: {  	[sflag:s0] =	ssyncadd.s32 @!p0 s1  }
0xcc: {  	[bflag:$0x3] =	sbarrier.arrive $0xFFFF  }
0xcd: {  	_ =	shalt  }

// kernel: sparse-core-data-format-call.cloned.1.call-start
scs
called_computation_lowered:
.L_overlay_start_0:
0x0: {  	s2 =	sld [smem:$0x3FD9]  }
0x1: {  	s3 =	sld [smem:$0x3FFE];
	_ =	sdelay $0x1  }
0x2: {  	s1 =	srdreg.scid  }
0x3: {  	s0 =	sand.u32 $0x1, s1  }
0x4: {  	s18 =	sshll.u32 s0, $0xA;
	s2 =	sadd.s32 s3, s2  }
0x5: {  	s2 =	sadd.s32 s2, s18  }
0x6: {  	[smem:$0x3FC6] =	sst s2  }
0x7: {  	_ = 	snop  }
0x8: {  	s2 =	sld [smem:$0x3FD0];
	(tm) =	ssettm $0x1  }
0x9: {  	s19 =	sld [smem:$0x3FFB];
	_ =	sdelay $0x3  }
0xa: {  	_ =	strace s19  }
0xb: {  	s3 =	sld [smem:$0x3FFC];
	_ =	sdelay $0x3  }
0xc: {  	_ =	strace s3  }
0xd: {  	s3 =	sld [smem:$0x3FFD];
	_ =	sdelay $0x3  }
0xe: {  	_ =	strace s3  }
0xf: {  	_ =	strace $0x8FFFFFFF  }
0x10: {  	s20 =	sld [smem:$0x3FDB];
	_ =	sdelay $0x1  }
0x11: {  	s4 =	simm.s32 $_scs_section_size  }
0x12: {  	s5 =	simm.s32 $_size__tile_overlayer_lowered;
	s6 =	simm.s32 $_tile_overlayer_lowered  }
0x13: {  	s23 =	simm.s32 $0x1BFF;
	s22 =	sshll.u32 s6, $0x1;
	s3 =	sadd.s32 s4, s20  }
0x14: {  	s7 =	simm.s32 $0x0;
	s21 =	sshll.u32 s5, $0x1;
	s5 =	sadd.s32 s22, s3  }
0x15: {  	[timem:s7], [sflag:s23] =	dma.local [hbm:s5], s21  }
0x16: {  	_ =	swait.ge [sflag:s23], s21  }
0x17: {  	s4 =	ssub.s32 $0x0, s21;
	[sflag:s23] =	ssyncset.done $0x0  }
0x18: {  	[sflag:s23] =	ssyncadd.s32 s4;
	_ =	sdelay $0x1  }
0x19: {  	s24 =	simm.s32 $0x1B8B  }
0x1a: {  	_ =	swait.ge [sflag:s24], $0x1  }
0x1b: {  	[sflag:s24] =	ssyncset.done $0x0  }
0x1c: {  	s26 =	simm.s32 $0x1B8E;
	s25 =	sld [smem:$0x3FFE];
	[sflag:s24] =	ssyncadd.s32 $0xFFFFFFFF  }
0x1d: {  	s27 =	simm.s32 $execute0_lowered;
	[smem:$0x3FD2] =	sst s26  }
0x1e: {  	s5 =	sshll.u32 s27, $0x1;
	_ =	strace $0x80000049;
	[dreg:$0x1] =	wrdreg $0xFFFFFFFF  }
0x1f: {  	s28 =	simm.s32 $_size_execute0_lowered;
	s3 =	sadd.s32 s3, s5;
	[dreg:$0x0] =	wrdreg $0x0  }
0x20: {  	s5 =	sshll.u32 s28, $0x1;
	[dreg:$0x2] =	wrdreg s3  }
0x21: {  	[dreg:$0x3] =	wrdreg s5  }
0x22: {  	[dreg:$0x4] =	wrdreg $0xC0  }
0x23: {  	_ =	task [dreg:s7], $0x5FFFF  }
0x24: {  	[dreg:$0x1] =	wrdreg $0xFFFFFFFF  }
0x25: {  	[dreg:$0x0] =	wrdreg $0x60  }
0x26: {  	[dreg:$0x2] =	wrdreg s25  }
0x27: {  	[dreg:$0x3] =	wrdreg s2  }
0x28: {  	[dreg:$0x4] =	wrdreg $0x9  }
0x29: {  	_ =	task.clear_ibuf [dreg:s7], $0x5FFFF;
	_ =	strace $0x90000049  }
0x2a: {  	s29 =	simm.s32 $0x9;
	_ =	strace $0x8000004B  }
0x2b: {  	_ =	swait.ge [sflag:s29], $0x1  }
0x2c: {  	[sflag:s29] =	ssyncadd.s32 $0xFFFFFFFF  }
0x2d: {  	_ =	strace $0x9000004B  }
0x2e: {  	_ =	sfence  }
0x2f: {  	s30 =	sld [smem:$0x0];
	_ =	sdelay $0x2  }
0x30: {  	s31 =	sshll.u32 s1, $0xD;
	s1 =	sshrl.u32 s1, $0x2  }
0x31: {  	s3 =	sand.u32 $0x4000, s31;
	s1 =	sadd.s32 s1, s30  }
0x32: {  	s0 =	sor.u32 s3, s0;
	s1 =	sshll.u32 s1, $0x11  }
0x33: {  	s0 =	sor.u32 s1, s0  }
0x34: {  	s0 =	sadd.s32 $0x8F2B, s0  }
0x35: {  	[sflag:s0] =	ssyncadd.remote.s32 $0x1  }
0x36: {  	_ =	sfence.sel $0xFFFF  }
0x37: {  	[dreg:$0x0] =	wrdreg $0xFFFFFFFF;
	(pc) =	sbr.abs _section_cstart, $3  }
0x38: {  	[dreg:$0x1] =	wrdreg $0xFFFFFFFF  }
0x39: {  	_ =	task.clear_ibuf [dreg:s7], $0x2FFFF;
	_ =	strace $0x9FFFFFFF  }
0x3a: {  	(tm) =	ssettm $0x7FFFFFFF  }
0x3b: {  	_ =	shalt  }
tec
execute0_lowered:
.L_overlay_start_1:
0x0: {  	(tag) =	ssettag $0x1  }
0x1: {  	s0 =	srdreg.scid  }
0x2: {  	s1 =	sshll.u32 s0, $0x4  }
0x3: {  	s4 =	rddreg [dreg:$0x0];
	s0 =	stileid.u32;
	s1 =	sand.u32 $0x10, s1  }
0x4: {  	s2 =	rddreg [dreg:$0x1];
	s7 =	simm.s32 $0x1;
	s1 =	sor.u32 s0, s1  }
0x5: {  	s8 =	simm.s32 $0x2;
	s11 =	simm.s32 $0x0;
	s3 =	sshll.u32 s1, $0x7  }
0x6: {  	s10 =	simm.s32 $0x0;
	s4 =	sadd.s32 $0xA00, s4;
	s6 =	ssub.s32 $0xC8000, s3  }
.Ltmp0:
0x7: {  	s1 =	rddreg [dreg:$0x2];
	s5 =	sand.u32 $0xF80, s6;
	(pc) =	sbr.rel .LBB1_1-.Ltmp0, $4  }
0x8: {  	_ =	strace $0x8000004A;
	s9 =	smov.u32 s3;
	p0 =	sne.s32 s5, $0x0  }
0x9: {  	s6 =	sshrl.u32 s6, $0xC;
	s5 =	simm.s32 $0x1;
	s7 =	simm.s32 @!p0 $0x0  }
0xa: {  	[sflag:s5] =	ssyncpa.u1 $0x0;
	p0 =	por $0x0, $0x0;
	s6 =	sadd.s32 s7, s6  }
0xb: {  	[sflag:s8] =	ssyncpa.u1 $0x0;
	s8 =	simm.s32 $0x640000;
	s7 =	sadd.s32 $0x1, s6  }
.LBB1_4:
0xc: {  	s14 =	sshll.u32 s11, $0x3  }
0xd: {  	s30 =	sand.u32 $0x7F, s11;
	s15 =	sand.u32 $0xFFFFFC00, s14  }
0xe: {  	s11 =	sor.u32 s30, s15  }
0xf: {  	s15 =	smulhi.u32 $0x51EB851F, s11  }
0x10: {  	s14 =	smulhi.u32 $0x51EB851F, s14  }
0x11: {  	s15 =	sshrl.u32 s15, $0x12  }
0x12: {  	s14 =	sshrl.u32 s14, $0x12;
	s15 =	smul.u32 $0xC8000, s15  }
0x13: {  	s14 =	sand.u32 $0x3F, s14  }
0x14: {  	s14 =	smul.u32 $0x19000, s14;
	s11 =	ssub.s32 s11, s15  }
0x15: {  	[tilespmem:s13+$0x810 ss:$0x81] =	vst.msk $0xffff, v2;
	s15 =	sand.u32 $0x7, s11  }
0x16: {  	[tilespmem:s13+$0x1020 ss:$0x81] =	vst.msk $0xffff, v0;
	s14 =	sadd.s32 s2, s14;
	s11 =	sshrl.u32 s11, $0x3;
	s15 =	sshll.u32 s15, $0x12  }
0x17: {  	[tilespmem:s13+$0x0 ss:$0x81] =	vst.msk $0xffff, v1;
	s11 =	sadd.s32 s11, s14;
	s31 =	sor.u32 $0x400, s15  }
0x18: {  	[hbm4b:s11+s31] =	stream.strided.scatter [tilespmem:s12], [sflag:$0x2], $0x2000, s8, s31, $0x20;
	[tilespmem:$0x8080] =	vst v63  }
.LBB1_5:
0x19: {  	s13 =	sadd.s32 $0x1000, s9  }
0x1a: {  	p2 =	sgt.s32 s13, $0xC7FFF  }
0x1b: {  	s13 =	smov.u32 @p2 s3;
	p2 =	sne.s32 s10, s7  }
.Ltmp1:
0x1c: {  	p1 =	slt.u32 s10, $0x2;
	(pc) =	sbr.rel @!p2 .LBB1_6-.Ltmp1, $4  }
0x1d: {  	s12 =	simm.s32 @!p1 $0x2  }
0x1e: {  	s14 =	sadd.s32 $0x1, s10;
	_ =	swait.ge @!p1 [sflag:s12], $0x2000  }
0x1f: {  	s11 =	smov.u32 s9;
	p0 =	por !p0, !p0;
	[sflag:s12] =	ssyncset.done @!p1 $0x0  }
0x20: {  	s10 =	smov.u32 s14;
	s9 =	smov.u32 s13;
	[sflag:s12] =	ssyncadd.s32 @!p1 $0xFFFFE000  }
.LBB1_1:
0x21: {  	p1 =	sge.u32 s10, s6  }
0x22: {  	s12 =	sand.u32 @!p1 $0x1FFFFFF, s9  }
0x23: {  	s13 =	smulhi.u32 @!p1 $0x147AE15, s12;
	_ =	sdelay $0x1  }
0x24: {  	s13 =	sshrl.u32 @!p1 s13, $0xC  }
0x25: {  	s13 =	smul.u32 @!p1 $0xC8000, s13;
	_ =	sdelay $0x1  }
0x26: {  	s31 =	sadd.s32 $0xFFFFFFFF, s10;
	s14 =	sxor.u32 @!p1 $0xFFFFFFFF, s10;
	s12 =	ssub.s32 @!p1 s12, s13  }
0x27: {  	s15 =	simm.s32 @!p1 $0x80;
	s14 =	sshll.u32 @!p1 s14, $0xD;
	s12 =	sshll.u32 @!p1 s12, $0x4  }
0x28: {  	s13 =	sand.u32 @!p1 $0x2000, s14;
	s14 =	simm.s32 @!p1 $0x40;
	s12 =	sadd.s32 @!p1 s4, s12  }
0x29: {  	[tilespmem:s13], [sflag:$0x1] =	stream.strided.gather @!p1 [hbm4b:s12+s14], $0x2000, s15, s14, $0x38;
	[tilespmem:$0x8080] =	vst v63  }
0x2a: {  	p1 =	sge.u32 s31, s6  }
.Ltmp2:
0x2b: {  	_ = 	snop;
	(pc) =	sbr.rel @p1 .LBB1_5-.Ltmp2, $1  }
0x2c: {  	_ =	sdelay $0x3  }
0x2d: {  	s12 =	simm.s32 $0x1  }
0x2e: {  	_ =	swait.ge [sflag:s5], $0x2000;
	s12 =	simm.s32 @!p0 $0x0  }
0x2f: {  	[sflag:s5] =	ssyncset.done $0x0;
	s13 =	sshll.u32 s12, $0xD  }
0x30: {  	[sflag:s5] =	ssyncadd.s32 $0xFFFFE000;
	s16 =	sor.u32 $0x20, s13  }
0x31: {  	s12 =	smul.u32 $0x8100, s12;
	v3 =	vld [tilespmem:s16+$0x10]  }
0x32: {  	s30 =	sand.u32 $0x1, s10;
	v2 =	vld [tilespmem:s16+$0xFFFFFFF0]  }
0x33: {  	s13 =	smul.u32 $0x8100, s30;
	s12 =	sshrl.u32 s12, $0x2;
	v0 =	vld [tilespmem:s16+$0x0]  }
0x34: {  	v1 =	vld [tilespmem:s16+$0xFFFFFFE0];
	s14 =	sor.u32 $0x4000, s12  }
0x35: {  	s31 =	sshrl.u32 s13, $0x2;
	s13 =	sadd.s32 $0x0, s14  }
0x36: {  	s15 =	simm.s32 $0x4;
	s16 =	sadd.s32 $0x40, s16;
	s12 =	sor.u32 $0x4000, s31;
	[tilespmem:s13+$0x1830 ss:$0x81] =	vst.msk $0xffff, v3  }
.LBB1_3:
0x37: {  	v3 =	vld [tilespmem:s16+$0x10];
	p1 =	sne.s32 s15, $0x1FC;
	[tilespmem:s13+$0x810 ss:$0x81] =	vst.msk $0xffff, v2;
	s17 =	smov.u32 s15;
	s15 =	sadd.s32 $0x4, s15  }
.Ltmp3:
0x38: {  	v2 =	vld [tilespmem:s16+$0xFFFFFFF0];
	[tilespmem:s13+$0x1020 ss:$0x81] =	vst.msk $0xffff, v0;
	(pc) =	sbr.rel @p1 .LBB1_3-.Ltmp3, $4  }
0x39: {  	v0 =	vld [tilespmem:s16+$0x0];
	[tilespmem:s13+$0x0 ss:$0x81] =	vst.msk $0xffff, v1  }
0x3a: {  	s13 =	sshra.s32 s17, $0x2;
	v1 =	vld [tilespmem:s16+$0xFFFFFFE0]  }
0x3b: {  	s13 =	sadd.s32 s13, s14  }
0x3c: {  	s16 =	sadd.s32 $0x40, s16;
	[tilespmem:s13+$0x1830 ss:$0x81] =	vst.msk $0xffff, v3  }
.Ltmp4:
0x3d: {  	_ = 	snop;
	(pc) =	sbr.rel .LBB1_4-.Ltmp4, $1  }
0x3e: {  	_ =	sdelay $0x3  }
.LBB1_6:
0x3f: {  	_ =	sfence.sel $0x180000  }
0x40: {  	s2 =	simm.s32 $0x1;
	[bflag:$0x0] =	sbarrier.arrive $0xFFFF  }
0x41: {  	s31 =	simm.s32 $0x2;
	[sflag:s2] =	ssyncpa.u1 $0x1  }
0x42: {  	[sflag:s31] =	ssyncpa.u1 $0x1  }
0x43: {  	p0 =	sne.s32 s0, $0x0;
	_ =	strace $0x9000004A  }
0x44: {  	s0 =	sadd.s32 @!p0 $0x100000, s1;
	[bflag:$0x2] =	sbarrier.arrive $0xFFFF  }
0x45: {  	[sflag:s0] =	ssyncadd.tile.s32 @!p0 $0x1;
	_ =	shalt  }
.Lfunc_end1:
_tile_overlayer_lowered:
.L_overlay_start_2:
0x46: {  	(tag) =	ssettag $0x2  }
0x47: {  	s0 =	rddreg [dreg:$0x0];
	s2 =	stileid.u32  }
0x48: {  	s1 =	rddreg [dreg:$0x1];
	p0 =	sne.s32 s2, $0x0  }
0x49: {  	s3 =	rddreg [dreg:$0x2];
	[bflag:$0x3] =	sbarrier.arrive $0xFFFF;
	s2 =	simm.s32 @!p0 $0x1C01  }
0x4a: {  	[timem:s3], [sflag:s2] =	dma.local @!p0 [hbm:s0], s1  }
0x4b: {  	s0 =	simm.s32 @!p0 $0x1  }
0x4c: {  	_ =	swait.ge @!p0 [sflag:s0], s1  }
0x4d: {  	s1 =	ssub.s32 @!p0 $0x0, s1;
	[sflag:s0] =	ssyncset.done @!p0 $0x0  }
0x4e: {  	[sflag:s0] =	ssyncadd.s32 @!p0 s1  }
0x4f: {  	[bflag:$0x3] =	sbarrier.arrive $0xFFFF  }
0x50: {  	_ =	shalt  }

</sc_bundles>
